<compile_context>
chip_gen: v7x
topology: tpu7x:2x2x1
jax: 0.10.2.dev20260603
libtpu: 0.0.44.dev20260713+nightly
codegen_flags: <defaults>
</compile_context>

<pallas_src>
import functools

import jax
import jax.numpy as jnp
from jax import lax
from jax.experimental import pallas as pl
from jax.experimental.pallas import tpu as pltpu
from jax.experimental.pallas import tpu_sc as plsc

COMMITMENT_COST = 0.25

B, L, D = 16, 1024, 128
NB, K, DC = 4, 8192, 32
N = B * L
TN = 512
NW = 32
CH = (N * NB) // NW
SUB = 4
CHS = CH // SUB


def _argmin_body(zf_ref, ncbt_ref, cnh_ref, idx_ref):
    x = zf_ref[...]
    cols = []
    for i in range(NB):
        xi = x[:, i * DC:(i + 1) * DC]
        ct = ncbt_ref[i * DC:(i + 1) * DC, :]
        s = jax.lax.dot_general(
            xi, ct, (((1,), (0,)), ((), ())),
            preferred_element_type=jnp.float32)
        h = s + cnh_ref[8 * i:8 * i + 1, :]
        cols.append(jnp.argmin(h, axis=1).astype(jnp.int32).reshape(TN, 1))
    idx_ref[...] = jnp.concatenate(cols, axis=1)


def _argmin_call(zf, ncbt, cnh8):
    return pl.pallas_call(
        _argmin_body,
        grid=(N // TN,),
        in_specs=[
            pl.BlockSpec((TN, D), lambda n: (n, 0)),
            pl.BlockSpec((D, K), lambda n: (0, 0)),
            pl.BlockSpec((8 * NB, K), lambda n: (0, 0)),
        ],
        out_specs=pl.BlockSpec((TN, NB), lambda n: (n, 0)),
        out_shape=jax.ShapeDtypeStruct((N, NB), jnp.int32),
    )(zf, ncbt, cnh8)


def _gather_hist_body(idx_hbm, table_hbm, zf_hbm, zq_hbm, hist_hbm, loss_hbm,
                      idx_v, gidx_v, rows0_v, rows1_v, z0_v, z1_v, hist_v,
                      acc_v, gsem0, gsem1, zsem0, zsem1):
    wid = lax.axis_index("s") * 2 + lax.axis_index("c")
    base = wid * CH
    pltpu.sync_copy(idx_hbm.at[pl.ds(base, CH)], idx_v)

    offs = (lax.iota(jnp.int32, 16) % NB) * K

    def gbody(j, c):
        for u in range(4):
            sl = pl.ds(j * 64 + u * 16, 16)
            gidx_v[sl] = idx_v[sl] + offs
        return c

    lax.fori_loop(0, CH // 64, gbody, 0)

    rows = (rows0_v, rows1_v)
    zs = (z0_v, z1_v)
    gsems = (gsem0, gsem1)
    zsems = (zsem0, zsem1)

    def fire(sc):
        lo = sc * CHS
        g = pltpu.async_copy(table_hbm.at[gidx_v.at[pl.ds(lo, CHS)]],
                             rows[sc % 2], gsems[sc % 2])
        zc = pltpu.async_copy(zf_hbm.at[pl.ds(base + lo, CHS)],
                              zs[sc % 2], zsems[sc % 2])
        return g, zc

    pending = fire(0)

    zeros16 = jnp.zeros((16,), jnp.int32)

    def zbody(j, c):
        for u in range(8):
            hist_v[pl.ds(j * 128 + u * 16, 16)] = zeros16
        return c

    lax.fori_loop(0, (NB * K) // 128, zbody, 0)

    def hbody(j, c):
        for u in range(4):
            v = gidx_v[pl.ds(j * 64 + u * 16, 16)]
            cnt, last = plsc.scan_count(v)
            plsc.addupdate_scatter(hist_v, [v], cnt, mask=last)
        return c

    lax.fori_loop(0, CH // 64, hbody, 0)
    pltpu.sync_copy(hist_v, hist_hbm.at[pl.ds(wid * (NB * K), NB * K)])

    acc = jnp.zeros((16,), jnp.float32)
    for sc in range(SUB):
        g, zc = pending
        g.wait()
        zc.wait()
        if sc + 1 < SUB:
            pending = fire(sc + 1)
        rv = rows[sc % 2]
        zv = zs[sc % 2]
        pltpu.sync_copy(rv, zq_hbm.at[pl.ds(base + sc * CHS, CHS)])

        def lbody(j, a):
            for u in range(4):
                d0 = zv[j * 4 + u, pl.ds(0, 16)] - rv[j * 4 + u, pl.ds(0, 16)]
                d1 = zv[j * 4 + u, pl.ds(16, 16)] - rv[j * 4 + u, pl.ds(16, 16)]
                a = a + (d0 * d0 + d1 * d1)
            return a

        acc = lax.fori_loop(0, CHS // 4, lbody, acc)
    acc_v[...] = acc
    pltpu.sync_copy(acc_v, loss_hbm.at[pl.ds(wid * 16, 16)])


@functools.cache
def _gather_hist_call():
    return pl.kernel(
        _gather_hist_body,
        out_type=(
            jax.ShapeDtypeStruct((N * NB, DC), jnp.float32),
            jax.ShapeDtypeStruct((NW * NB * K,), jnp.int32),
            jax.ShapeDtypeStruct((NW * 16,), jnp.float32),
        ),
        mesh=plsc.VectorSubcoreMesh(core_axis_name="c", subcore_axis_name="s"),
        compiler_params=pltpu.CompilerParams(
            needs_layout_passes=False, use_tc_tiling_on_sc=False),
        scratch_types=[
            pltpu.VMEM((CH,), jnp.int32),
            pltpu.VMEM((CH,), jnp.int32),
            pltpu.VMEM((CHS, DC), jnp.float32),
            pltpu.VMEM((CHS, DC), jnp.float32),
            pltpu.VMEM((CHS, DC), jnp.float32),
            pltpu.VMEM((CHS, DC), jnp.float32),
            pltpu.VMEM((NB * K,), jnp.int32),
            pltpu.VMEM((16,), jnp.float32),
            pltpu.SemaphoreType.DMA,
            pltpu.SemaphoreType.DMA,
            pltpu.SemaphoreType.DMA,
            pltpu.SemaphoreType.DMA,
        ],
    )


def _finalize_body(hist_ref, losspart_ref, loss_ref, ent_ref):
    h = hist_ref[...]
    counts = jnp.sum(h, axis=0, keepdims=True).astype(jnp.float32)
    p = counts / jnp.float32(N)
    ent = -jnp.sum(p * jnp.log(p + 1e-10))
    ent_ref[...] = (ent / jnp.float32(NB)).reshape(1, 1)
    s = jnp.sum(losspart_ref[...])
    loss_ref[...] = ((COMMITMENT_COST * s / jnp.float32(N * DC))
                     / jnp.float32(NB)).reshape(1, 1)


def _finalize_call(hist, loss_part):
    return pl.pallas_call(
        _finalize_body,
        out_shape=[
            jax.ShapeDtypeStruct((1, 1), jnp.float32),
            jax.ShapeDtypeStruct((1, 1), jnp.float32),
        ],
    )(hist, loss_part)


def kernel(z, codebooks):
    zf = z.reshape(N, D)
    ncbt = (-codebooks.transpose(0, 2, 1)).reshape(NB * DC, K)
    cnh = 0.5 * jnp.sum(codebooks * codebooks, axis=2)
    cnh8 = jnp.pad(cnh[:, None, :], ((0, 0), (0, 7), (0, 0))).reshape(8 * NB, K)
    idx = _argmin_call(zf, ncbt, cnh8)
    table = codebooks.reshape(NB * K, DC)
    zq_flat, hist_flat, loss_part = _gather_hist_call()(
        idx.reshape(N * NB), table, zf.reshape(N * NB, DC))
    loss_out, ent_out = _finalize_call(
        hist_flat.reshape(NW, NB * K), loss_part.reshape(NW, 16))
    z_q = zq_flat.reshape(B, L, D)
    indices = idx.reshape(B, L, NB)
    lo = loss_out[0, 0]
    en = ent_out[0, 0]
    return (z_q, indices, lo, lo, en)

# --- scband reference (transcript-rebuilt; emitter-appended) ---
"""Pipeline reference for scband-multi-vector-quantizer-46643344834661 (READ-ONLY COPY).

The authoritative reference and input builder live on the scoring server;
editing this copy changes nothing except your own understanding.
"""

import jax, jax.numpy as jnp
import numpy as np

COMMITMENT_COST = 0.25


def setup_inputs(seed: int = 0) -> dict:
    key = jax.random.key(seed)
    k1, k2 = jax.random.split(key)
    z = jax.random.normal(k1, (16, 1024, 128), dtype=jnp.float32)
    # learned parameter: 4 codebooks, each [8192, 32]
    codebooks = jax.random.normal(k2, (4, 8192, 32), dtype=jnp.float32) * 0.1
    return {"z": z, "codebooks": codebooks}


def _quantize_one(flat, cb):
    # flat: [N, d], cb: [K, d]
    d2 = (jnp.sum(flat * flat, axis=1, keepdims=True)
          - 2.0 * flat @ cb.T
          + jnp.sum(cb * cb, axis=1)[None, :])
    idx = jnp.argmin(d2, axis=1)
    zq = jnp.take(cb, idx, axis=0)
    return zq, idx


def reference(z, codebooks):
    B, L, D = z.shape
    nb, K, dpc = codebooks.shape
    assert D == nb * dpc
    zq_list = []
    idx_list = []
    total_vq_loss = jnp.float32(0.0)
    total_codebook_commitment = jnp.float32(0.0)
    total_entropy = jnp.float32(0.0)
    for i in range(nb):
        zc = z[..., i * dpc:(i + 1) * dpc]
        flat = zc.reshape(-1, dpc)
        zq, idx = _quantize_one(flat, codebooks[i])
        # EMA variant: only commitment term drives gradients; codebook updated via EMA
        commitment = jnp.mean((flat - jax.lax.stop_gradient(zq)) ** 2)
        codebook_commitment = COMMITMENT_COST * commitment
        loss = codebook_commitment
        counts = jnp.bincount(idx, length=K)
        probs = counts.astype(jnp.float32) / flat.shape[0]
        entropy = -jnp.sum(probs * jnp.log(probs + 1e-10))
        # straight-through estimator
        zq_st = flat + jax.lax.stop_gradient(zq - flat)
        zq_list.append(zq_st.reshape(B, L, dpc))
        idx_list.append(idx.reshape(B, L))
        total_vq_loss = total_vq_loss + loss
        total_codebook_commitment = total_codebook_commitment + codebook_commitment
        total_entropy = total_entropy + entropy
    z_q = jnp.concatenate(zq_list, axis=-1)
    indices = jnp.stack(idx_list, axis=-1)
    nbf = jnp.float32(nb)
    return (z_q, indices, total_vq_loss / nbf, total_codebook_commitment / nbf, total_entropy / nbf)

if __name__ == "__main__":
    import jax
    _d = setup_inputs()
    print(jax.jit(kernel)(*tuple(_d.values())))

</pallas_src>

<mosaic_0001>
#map = affine_map<(d0, d1) -> (0)>
#map1 = affine_map<(d0, d1) -> (0, 0)>
module attributes {stable_mosaic.version = 14 : i64} {
  func.func @_gather_hist_body(%arg0: i32, %arg1: i32, %arg2: memref<65536xi32, #tpu.memory_space<hbm>>, %arg3: memref<32768x32xf32, #tpu.memory_space<hbm>>, %arg4: memref<65536x32xf32, #tpu.memory_space<hbm>>, %arg5: memref<65536x32xf32, #tpu.memory_space<hbm>>, %arg6: memref<1048576xi32, #tpu.memory_space<hbm>>, %arg7: memref<512xf32, #tpu.memory_space<hbm>>, %arg8: memref<2048xi32, #tpu.memory_space<vmem>>, %arg9: memref<2048xi32, #tpu.memory_space<vmem>>, %arg10: memref<512x32xf32, #tpu.memory_space<vmem>>, %arg11: memref<512x32xf32, #tpu.memory_space<vmem>>, %arg12: memref<512x32xf32, #tpu.memory_space<vmem>>, %arg13: memref<512x32xf32, #tpu.memory_space<vmem>>, %arg14: memref<32768xi32, #tpu.memory_space<vmem>>, %arg15: memref<16xf32, #tpu.memory_space<vmem>>, %arg16: memref<!tpu.dma_semaphore, #tpu.memory_space<semaphore_mem>>, %arg17: memref<!tpu.dma_semaphore, #tpu.memory_space<semaphore_mem>>, %arg18: memref<!tpu.dma_semaphore, #tpu.memory_space<semaphore_mem>>, %arg19: memref<!tpu.dma_semaphore, #tpu.memory_space<semaphore_mem>>) attributes {dimension_semantics = [#tpu.dimension_semantics<core_parallel>, #tpu.dimension_semantics<subcore_parallel>], iteration_bounds = array<i64: 2, 16>, scalar_prefetch = 0 : i64, scratch_operands = 12 : i64, tpu.core_type = #tpu.core_type<sc_vector_subcore>, window_params = [{transform_indices = #map}, {transform_indices = #map1}, {transform_indices = #map1}, {transform_indices = #map1}, {transform_indices = #map}, {transform_indices = #map}]} {
    %mul3A = arith.constant 2 : i32
    %mul3A_0 = arith.muli %arg1, %mul3A : i32
    %add3A = arith.addi %mul3A_0, %arg0 : i32
    %mul3A_1 = arith.constant 2048 : i32
    %mul3A_2 = arith.muli %add3A, %mul3A_1 : i32
    "tpu.region"() ({
      %run_scoped3A = tpu.sem_alloc : memref<!tpu.dma_semaphore, #tpu.memory_space<semaphore_mem>>
      %dma_start3A_156 = tpu.memref_slice %arg2[%mul3A_2] : memref<65536xi32, #tpu.memory_space<hbm>> -> memref<2048xi32, #tpu.memory_space<hbm>>
      %dma_start3A_157 = tpu.memref_slice %arg2[%mul3A_2] : memref<65536xi32, #tpu.memory_space<hbm>> -> memref<2048xi32, #tpu.memory_space<hbm>>
      tpu.enqueue_dma source(%dma_start3A_157 : memref<2048xi32, #tpu.memory_space<hbm>>) target(%arg8 : memref<2048xi32, #tpu.memory_space<vmem>>) target_semaphore(%run_scoped3A : memref<!tpu.dma_semaphore, #tpu.memory_space<semaphore_mem>>)
      %dma_wait3A_158 = tpu.memref_slice %arg2[%mul3A_2] : memref<65536xi32, #tpu.memory_space<hbm>> -> memref<2048xi32, #tpu.memory_space<hbm>>
      %dma_wait3A_159 = tpu.memref_slice %arg2[%mul3A_2] : memref<65536xi32, #tpu.memory_space<hbm>> -> memref<2048xi32, #tpu.memory_space<hbm>>
      tpu.wait_dma2 semaphore(%run_scoped3A : memref<!tpu.dma_semaphore, #tpu.memory_space<semaphore_mem>>) src(%dma_wait3A_159 : memref<2048xi32, #tpu.memory_space<hbm>>) dst(%arg8 : memref<2048xi32, #tpu.memory_space<vmem>>)
      tpu.yield
    }) : () -> ()
    %iota3A = tpu.iota {dimensions = array<i32: 0>} : vector<16xi32>
    %jit3A = arith.constant 4 : i32
    %eq3A = arith.constant 0 : i32
    %eq3A_3 = arith.cmpi eq, %jit3A, %eq3A : i32
    %jit3A_4 = arith.constant 1 : i32
    %select_n3A = arith.select %eq3A_3, %jit3A_4, %jit3A : i32
    %rem3A = vector.broadcast %select_n3A : i32 to vector<16xi32>
    %rem3A_5 = arith.remsi %iota3A, %rem3A : vector<16xi32>
    %ne3A = arith.constant 0 : i32
    %ne3A_6 = vector.broadcast %ne3A : i32 to vector<16xi32>
    %ne3A_7 = arith.cmpi ne, %rem3A_5, %ne3A_6 : vector<16xi32>
    %lt3A = arith.constant 0 : i32
    %lt3A_8 = vector.broadcast %lt3A : i32 to vector<16xi32>
    %lt3A_9 = arith.cmpi slt, %rem3A_5, %lt3A_8 : vector<16xi32>
    %lt3A_10 = arith.constant 0 : i32
    %lt3A_11 = arith.cmpi slt, %select_n3A, %lt3A_10 : i32
    %ne3A_12 = vector.broadcast %lt3A_11 : i1 to vector<16xi1>
    %ne3A_13 = vector.broadcast %ne3A_12 : vector<16xi1> to vector<16xi1>
    %ne3A_14 = arith.xori %lt3A_9, %ne3A_13 : vector<16xi1>
    %and3A = arith.andi %ne3A_14, %ne3A_7 : vector<16xi1>
    %add3A_15 = vector.broadcast %select_n3A : i32 to vector<16xi32>
    %add3A_16 = arith.addi %rem3A_5, %add3A_15 : vector<16xi32>
    %select_n3A_17 = arith.select %and3A, %add3A_16, %rem3A_5 : vector<16xi1>, vector<16xi32>
    %mul3A_18 = arith.constant 8192 : i32
    %mul3A_19 = vector.broadcast %mul3A_18 : i32 to vector<16xi32>
    %mul3A_20 = arith.muli %select_n3A_17, %mul3A_19 : vector<16xi32>
    %scan3A = arith.constant 0 : i32
    %scan3A_21 = arith.constant 0 : i32
    %scan3A_22 = arith.constant 32 : i32
    %scan3A_23 = arith.addi %scan3A_21, %scan3A_22 : i32
    %scan3A_24 = arith.constant 1 : i32
    scf.for %scan3A_156 = %scan3A_21 to %scan3A_23 step %scan3A_24  : i32 {
      %mul3A_157 = arith.constant 64 : i32
      %mul3A_158 = arith.muli %scan3A_156, %mul3A_157 : i32
      %add3A_159 = arith.constant 0 : i32
      %add3A_160 = arith.addi %mul3A_158, %add3A_159 : i32
      %get3A = arith.index_cast %add3A_160 : i32 to index
      %get3A_161 = tpu.vector_load %arg8[%get3A] {strides = array<i32>} : memref<2048xi32, #tpu.memory_space<vmem>>, vector<16xi32>,
      %add3A_162 = arith.addi %get3A_161, %mul3A_20 : vector<16xi32>
      %swap3A_163 = arith.index_cast %add3A_160 : i32 to index
      %swap3A_164 = tpu.vector_load %arg9[%swap3A_163] {strides = array<i32>} : memref<2048xi32, #tpu.memory_space<vmem>>, vector<16xi32>,
      tpu.vector_store %arg9[%swap3A_163], %add3A_162 {strides = array<i32>} : memref<2048xi32, #tpu.memory_space<vmem>>, vector<16xi32>,
      %mul3A_165 = arith.constant 64 : i32
      %mul3A_166 = arith.muli %scan3A_156, %mul3A_165 : i32
      %add3A_167 = arith.constant 16 : i32
      %add3A_168 = arith.addi %mul3A_166, %add3A_167 : i32
      %get3A_169 = arith.index_cast %add3A_168 : i32 to index
      %get3A_170 = tpu.vector_load %arg8[%get3A_169] {strides = array<i32>} : memref<2048xi32, #tpu.memory_space<vmem>>, vector<16xi32>,
      %add3A_171 = arith.addi %get3A_170, %mul3A_20 : vector<16xi32>
      %swap3A_172 = arith.index_cast %add3A_168 : i32 to index
      %swap3A_173 = tpu.vector_load %arg9[%swap3A_172] {strides = array<i32>} : memref<2048xi32, #tpu.memory_space<vmem>>, vector<16xi32>,
      tpu.vector_store %arg9[%swap3A_172], %add3A_171 {strides = array<i32>} : memref<2048xi32, #tpu.memory_space<vmem>>, vector<16xi32>,
      %mul3A_174 = arith.constant 64 : i32
      %mul3A_175 = arith.muli %scan3A_156, %mul3A_174 : i32
      %add3A_176 = arith.constant 32 : i32
      %add3A_177 = arith.addi %mul3A_175, %add3A_176 : i32
      %get3A_178 = arith.index_cast %add3A_177 : i32 to index
      %get3A_179 = tpu.vector_load %arg8[%get3A_178] {strides = array<i32>} : memref<2048xi32, #tpu.memory_space<vmem>>, vector<16xi32>,
      %add3A_180 = arith.addi %get3A_179, %mul3A_20 : vector<16xi32>
      %swap3A_181 = arith.index_cast %add3A_177 : i32 to index
      %swap3A_182 = tpu.vector_load %arg9[%swap3A_181] {strides = array<i32>} : memref<2048xi32, #tpu.memory_space<vmem>>, vector<16xi32>,
      tpu.vector_store %arg9[%swap3A_181], %add3A_180 {strides = array<i32>} : memref<2048xi32, #tpu.memory_space<vmem>>, vector<16xi32>,
      %mul3A_183 = arith.constant 64 : i32
      %mul3A_184 = arith.muli %scan3A_156, %mul3A_183 : i32
      %add3A_185 = arith.constant 48 : i32
      %add3A_186 = arith.addi %mul3A_184, %add3A_185 : i32
      %get3A_187 = arith.index_cast %add3A_186 : i32 to index
      %get3A_188 = tpu.vector_load %arg8[%get3A_187] {strides = array<i32>} : memref<2048xi32, #tpu.memory_space<vmem>>, vector<16xi32>,
      %add3A_189 = arith.addi %get3A_188, %mul3A_20 : vector<16xi32>
      %swap3A_190 = arith.index_cast %add3A_186 : i32 to index
      %swap3A_191 = tpu.vector_load %arg9[%swap3A_190] {strides = array<i32>} : memref<2048xi32, #tpu.memory_space<vmem>>, vector<16xi32>,
      tpu.vector_store %arg9[%swap3A_190], %add3A_189 {strides = array<i32>} : memref<2048xi32, #tpu.memory_space<vmem>>, vector<16xi32>,
    }
    %scan3A_25 = arith.constant 32 : i32
    %dma_start3A = arith.constant 0 : i32
    %dma_start3A_26 = tpu.memref_slice %arg9[%dma_start3A] : memref<2048xi32, #tpu.memory_space<vmem>> -> memref<512xi32, #tpu.memory_space<vmem>>
    %dma_start3A_27 = arith.constant 0 : i32
    %dma_start3A_28 = arith.constant 0 : i32
    %dma_start3A_29 = tpu.memref_slice %arg3[%dma_start3A_27, %dma_start3A_28] : memref<32768x32xf32, #tpu.memory_space<hbm>> -> memref<32768x32xf32, #tpu.memory_space<hbm>>
    tpu.enqueue_indirect_dma source(%dma_start3A_29 : memref<32768x32xf32, #tpu.memory_space<hbm>>) target(%arg10 : memref<512x32xf32, #tpu.memory_space<vmem>>) offsets(%dma_start3A_26 : memref<512xi32, #tpu.memory_space<vmem>>) semaphore(%arg16 : memref<!tpu.dma_semaphore, #tpu.memory_space<semaphore_mem>>)
    %add3A_30 = arith.constant 0 : i32
    %add3A_31 = arith.addi %mul3A_2, %add3A_30 : i32
    %dma_start3A_32 = arith.constant 0 : i32
    %dma_start3A_33 = tpu.memref_slice %arg4[%add3A_31, %dma_start3A_32] : memref<65536x32xf32, #tpu.memory_space<hbm>> -> memref<512x32xf32, #tpu.memory_space<hbm>>
    %dma_start3A_34 = arith.constant 0 : i32
    %dma_start3A_35 = tpu.memref_slice %arg4[%add3A_31, %dma_start3A_34] : memref<65536x32xf32, #tpu.memory_space<hbm>> -> memref<512x32xf32, #tpu.memory_space<hbm>>
    tpu.enqueue_dma source(%dma_start3A_35 : memref<512x32xf32, #tpu.memory_space<hbm>>) target(%arg12 : memref<512x32xf32, #tpu.memory_space<vmem>>) target_semaphore(%arg18 : memref<!tpu.dma_semaphore, #tpu.memory_space<semaphore_mem>>)
    %broadcast_in_dim3A = arith.constant 0 : i32
    %broadcast_in_dim3A_36 = vector.broadcast %broadcast_in_dim3A : i32 to vector<16xi32>
    %scan3A_37 = arith.constant 0 : i32
    %scan3A_38 = arith.constant 0 : i32
    %scan3A_39 = arith.constant 256 : i32
    %scan3A_40 = arith.addi %scan3A_38, %scan3A_39 : i32
    %scan3A_41 = arith.constant 1 : i32
    scf.for %scan3A_156 = %scan3A_38 to %scan3A_40 step %scan3A_41  : i32 {
      %mul3A_157 = arith.constant 128 : i32
      %mul3A_158 = arith.muli %scan3A_156, %mul3A_157 : i32
      %add3A_159 = arith.constant 0 : i32
      %add3A_160 = arith.addi %mul3A_158, %add3A_159 : i32
      %swap3A_161 = arith.index_cast %add3A_160 : i32 to index
      %swap3A_162 = tpu.vector_load %arg14[%swap3A_161] {strides = array<i32>} : memref<32768xi32, #tpu.memory_space<vmem>>, vector<16xi32>,
      tpu.vector_store %arg14[%swap3A_161], %broadcast_in_dim3A_36 {strides = array<i32>} : memref<32768xi32, #tpu.memory_space<vmem>>, vector<16xi32>,
      %mul3A_163 = arith.constant 128 : i32
      %mul3A_164 = arith.muli %scan3A_156, %mul3A_163 : i32
      %add3A_165 = arith.constant 16 : i32
      %add3A_166 = arith.addi %mul3A_164, %add3A_165 : i32
      %swap3A_167 = arith.index_cast %add3A_166 : i32 to index
      %swap3A_168 = tpu.vector_load %arg14[%swap3A_167] {strides = array<i32>} : memref<32768xi32, #tpu.memory_space<vmem>>, vector<16xi32>,
      tpu.vector_store %arg14[%swap3A_167], %broadcast_in_dim3A_36 {strides = array<i32>} : memref<32768xi32, #tpu.memory_space<vmem>>, vector<16xi32>,
      %mul3A_169 = arith.constant 128 : i32
      %mul3A_170 = arith.muli %scan3A_156, %mul3A_169 : i32
      %add3A_171 = arith.constant 32 : i32
      %add3A_172 = arith.addi %mul3A_170, %add3A_171 : i32
      %swap3A_173 = arith.index_cast %add3A_172 : i32 to index
      %swap3A_174 = tpu.vector_load %arg14[%swap3A_173] {strides = array<i32>} : memref<32768xi32, #tpu.memory_space<vmem>>, vector<16xi32>,
      tpu.vector_store %arg14[%swap3A_173], %broadcast_in_dim3A_36 {strides = array<i32>} : memref<32768xi32, #tpu.memory_space<vmem>>, vector<16xi32>,
      %mul3A_175 = arith.constant 128 : i32
      %mul3A_176 = arith.muli %scan3A_156, %mul3A_175 : i32
      %add3A_177 = arith.constant 48 : i32
      %add3A_178 = arith.addi %mul3A_176, %add3A_177 : i32
      %swap3A_179 = arith.index_cast %add3A_178 : i32 to index
      %swap3A_180 = tpu.vector_load %arg14[%swap3A_179] {strides = array<i32>} : memref<32768xi32, #tpu.memory_space<vmem>>, vector<16xi32>,
      tpu.vector_store %arg14[%swap3A_179], %broadcast_in_dim3A_36 {strides = array<i32>} : memref<32768xi32, #tpu.memory_space<vmem>>, vector<16xi32>,
      %mul3A_181 = arith.constant 128 : i32
      %mul3A_182 = arith.muli %scan3A_156, %mul3A_181 : i32
      %add3A_183 = arith.constant 64 : i32
      %add3A_184 = arith.addi %mul3A_182, %add3A_183 : i32
      %swap3A_185 = arith.index_cast %add3A_184 : i32 to index
      %swap3A_186 = tpu.vector_load %arg14[%swap3A_185] {strides = array<i32>} : memref<32768xi32, #tpu.memory_space<vmem>>, vector<16xi32>,
      tpu.vector_store %arg14[%swap3A_185], %broadcast_in_dim3A_36 {strides = array<i32>} : memref<32768xi32, #tpu.memory_space<vmem>>, vector<16xi32>,
      %mul3A_187 = arith.constant 128 : i32
      %mul3A_188 = arith.muli %scan3A_156, %mul3A_187 : i32
      %add3A_189 = arith.constant 80 : i32
      %add3A_190 = arith.addi %mul3A_188, %add3A_189 : i32
      %swap3A_191 = arith.index_cast %add3A_190 : i32 to index
      %swap3A_192 = tpu.vector_load %arg14[%swap3A_191] {strides = array<i32>} : memref<32768xi32, #tpu.memory_space<vmem>>, vector<16xi32>,
      tpu.vector_store %arg14[%swap3A_191], %broadcast_in_dim3A_36 {strides = array<i32>} : memref<32768xi32, #tpu.memory_space<vmem>>, vector<16xi32>,
      %mul3A_193 = arith.constant 128 : i32
      %mul3A_194 = arith.muli %scan3A_156, %mul3A_193 : i32
      %add3A_195 = arith.constant 96 : i32
      %add3A_196 = arith.addi %mul3A_194, %add3A_195 : i32
      %swap3A_197 = arith.index_cast %add3A_196 : i32 to index
      %swap3A_198 = tpu.vector_load %arg14[%swap3A_197] {strides = array<i32>} : memref<32768xi32, #tpu.memory_space<vmem>>, vector<16xi32>,
      tpu.vector_store %arg14[%swap3A_197], %broadcast_in_dim3A_36 {strides = array<i32>} : memref<32768xi32, #tpu.memory_space<vmem>>, vector<16xi32>,
      %mul3A_199 = arith.constant 128 : i32
      %mul3A_200 = arith.muli %scan3A_156, %mul3A_199 : i32
      %add3A_201 = arith.constant 112 : i32
      %add3A_202 = arith.addi %mul3A_200, %add3A_201 : i32
      %swap3A_203 = arith.index_cast %add3A_202 : i32 to index
      %swap3A_204 = tpu.vector_load %arg14[%swap3A_203] {strides = array<i32>} : memref<32768xi32, #tpu.memory_space<vmem>>, vector<16xi32>,
      tpu.vector_store %arg14[%swap3A_203], %broadcast_in_dim3A_36 {strides = array<i32>} : memref<32768xi32, #tpu.memory_space<vmem>>, vector<16xi32>,
    }
    %scan3A_42 = arith.constant 256 : i32
    %scan3A_43 = arith.constant 0 : i32
    %scan3A_44 = arith.constant 0 : i32
    %scan3A_45 = arith.constant 32 : i32
    %scan3A_46 = arith.addi %scan3A_44, %scan3A_45 : i32
    %scan3A_47 = arith.constant 1 : i32
    scf.for %scan3A_156 = %scan3A_44 to %scan3A_46 step %scan3A_47  : i32 {
      %mul3A_157 = arith.constant 64 : i32
      %mul3A_158 = arith.muli %scan3A_156, %mul3A_157 : i32
      %add3A_159 = arith.constant 0 : i32
      %add3A_160 = arith.addi %mul3A_158, %add3A_159 : i32
      %get3A = arith.index_cast %add3A_160 : i32 to index
      %get3A_161 = tpu.vector_load %arg9[%get3A] {strides = array<i32>} : memref<2048xi32, #tpu.memory_space<vmem>>, vector<16xi32>,
      %broadcast_in_dim3A_162 = arith.constant true
      %broadcast_in_dim3A_163 = vector.broadcast %broadcast_in_dim3A_162 : i1 to vector<16xi1>
      %unique3A, %unique3A_164 = tpu.scan_count mask(%broadcast_in_dim3A_163 : vector<16xi1>) value(%get3A_161 : vector<16xi32>) : vector<16xi1>, vector<16xi32>
      tpu.vector_store_idx %arg14[%get3A_161], %unique3A_164 masked %unique3A {add = true} : memref<32768xi32, #tpu.memory_space<vmem>>[vector<16xi32>], vector<16xi32>, vector<16xi1>
      %mul3A_165 = arith.constant 64 : i32
      %mul3A_166 = arith.muli %scan3A_156, %mul3A_165 : i32
      %add3A_167 = arith.constant 16 : i32
      %add3A_168 = arith.addi %mul3A_166, %add3A_167 : i32
      %get3A_169 = arith.index_cast %add3A_168 : i32 to index
      %get3A_170 = tpu.vector_load %arg9[%get3A_169] {strides = array<i32>} : memref<2048xi32, #tpu.memory_space<vmem>>, vector<16xi32>,
      %broadcast_in_dim3A_171 = arith.constant true
      %broadcast_in_dim3A_172 = vector.broadcast %broadcast_in_dim3A_171 : i1 to vector<16xi1>
      %unique3A_173, %unique3A_174 = tpu.scan_count mask(%broadcast_in_dim3A_172 : vector<16xi1>) value(%get3A_170 : vector<16xi32>) : vector<16xi1>, vector<16xi32>
      tpu.vector_store_idx %arg14[%get3A_170], %unique3A_174 masked %unique3A_173 {add = true} : memref<32768xi32, #tpu.memory_space<vmem>>[vector<16xi32>], vector<16xi32>, vector<16xi1>
      %mul3A_175 = arith.constant 64 : i32
      %mul3A_176 = arith.muli %scan3A_156, %mul3A_175 : i32
      %add3A_177 = arith.constant 32 : i32
      %add3A_178 = arith.addi %mul3A_176, %add3A_177 : i32
      %get3A_179 = arith.index_cast %add3A_178 : i32 to index
      %get3A_180 = tpu.vector_load %arg9[%get3A_179] {strides = array<i32>} : memref<2048xi32, #tpu.memory_space<vmem>>, vector<16xi32>,
      %broadcast_in_dim3A_181 = arith.constant true
      %broadcast_in_dim3A_182 = vector.broadcast %broadcast_in_dim3A_181 : i1 to vector<16xi1>
      %unique3A_183, %unique3A_184 = tpu.scan_count mask(%broadcast_in_dim3A_182 : vector<16xi1>) value(%get3A_180 : vector<16xi32>) : vector<16xi1>, vector<16xi32>
      tpu.vector_store_idx %arg14[%get3A_180], %unique3A_184 masked %unique3A_183 {add = true} : memref<32768xi32, #tpu.memory_space<vmem>>[vector<16xi32>], vector<16xi32>, vector<16xi1>
      %mul3A_185 = arith.constant 64 : i32
      %mul3A_186 = arith.muli %scan3A_156, %mul3A_185 : i32
      %add3A_187 = arith.constant 48 : i32
      %add3A_188 = arith.addi %mul3A_186, %add3A_187 : i32
      %get3A_189 = arith.index_cast %add3A_188 : i32 to index
      %get3A_190 = tpu.vector_load %arg9[%get3A_189] {strides = array<i32>} : memref<2048xi32, #tpu.memory_space<vmem>>, vector<16xi32>,
      %broadcast_in_dim3A_191 = arith.constant true
      %broadcast_in_dim3A_192 = vector.broadcast %broadcast_in_dim3A_191 : i1 to vector<16xi1>
      %unique3A_193, %unique3A_194 = tpu.scan_count mask(%broadcast_in_dim3A_192 : vector<16xi1>) value(%get3A_190 : vector<16xi32>) : vector<16xi1>, vector<16xi32>
      tpu.vector_store_idx %arg14[%get3A_190], %unique3A_194 masked %unique3A_193 {add = true} : memref<32768xi32, #tpu.memory_space<vmem>>[vector<16xi32>], vector<16xi32>, vector<16xi1>
    }
    %scan3A_48 = arith.constant 32 : i32
    %mul3A_49 = arith.constant 32768 : i32
    %mul3A_50 = arith.muli %add3A, %mul3A_49 : i32
    "tpu.region"() ({
      %run_scoped3A = tpu.sem_alloc : memref<!tpu.dma_semaphore, #tpu.memory_space<semaphore_mem>>
      %dma_start3A_156 = tpu.memref_slice %arg6[%mul3A_50] : memref<1048576xi32, #tpu.memory_space<hbm>> -> memref<32768xi32, #tpu.memory_space<hbm>>
      %dma_start3A_157 = tpu.memref_slice %arg6[%mul3A_50] : memref<1048576xi32, #tpu.memory_space<hbm>> -> memref<32768xi32, #tpu.memory_space<hbm>>
      tpu.enqueue_dma source(%arg14 : memref<32768xi32, #tpu.memory_space<vmem>>) target(%dma_start3A_157 : memref<32768xi32, #tpu.memory_space<hbm>>) target_semaphore(%run_scoped3A : memref<!tpu.dma_semaphore, #tpu.memory_space<semaphore_mem>>)
      %dma_wait3A_158 = tpu.memref_slice %arg6[%mul3A_50] : memref<1048576xi32, #tpu.memory_space<hbm>> -> memref<32768xi32, #tpu.memory_space<hbm>>
      %dma_wait3A_159 = tpu.memref_slice %arg6[%mul3A_50] : memref<1048576xi32, #tpu.memory_space<hbm>> -> memref<32768xi32, #tpu.memory_space<hbm>>
      tpu.wait_dma2 semaphore(%run_scoped3A : memref<!tpu.dma_semaphore, #tpu.memory_space<semaphore_mem>>) src(%arg14 : memref<32768xi32, #tpu.memory_space<vmem>>) dst(%dma_wait3A_159 : memref<32768xi32, #tpu.memory_space<hbm>>)
      tpu.yield
    }) : () -> ()
    %broadcast_in_dim3A_51 = arith.constant 0.000000e+00 : f32
    %broadcast_in_dim3A_52 = vector.broadcast %broadcast_in_dim3A_51 : f32 to vector<16xf32>
    %dma_wait3A = arith.constant 0 : i32
    %dma_wait3A_53 = tpu.memref_slice %arg9[%dma_wait3A] : memref<2048xi32, #tpu.memory_space<vmem>> -> memref<512xi32, #tpu.memory_space<vmem>>
    %dma_wait3A_54 = arith.constant 0 : i32
    %dma_wait3A_55 = arith.constant 0 : i32
    %dma_wait3A_56 = tpu.memref_slice %arg3[%dma_wait3A_54, %dma_wait3A_55] : memref<32768x32xf32, #tpu.memory_space<hbm>> -> memref<32768x32xf32, #tpu.memory_space<hbm>>
    tpu.wait_indirect_dma semaphore(%arg16 : memref<!tpu.dma_semaphore, #tpu.memory_space<semaphore_mem>>) src(%dma_wait3A_56 : memref<32768x32xf32, #tpu.memory_space<hbm>>) dst(%arg10 : memref<512x32xf32, #tpu.memory_space<vmem>>)
    %dma_wait3A_57 = arith.constant 0 : i32
    %dma_wait3A_58 = tpu.memref_slice %arg4[%add3A_31, %dma_wait3A_57] : memref<65536x32xf32, #tpu.memory_space<hbm>> -> memref<512x32xf32, #tpu.memory_space<hbm>>
    %dma_wait3A_59 = arith.constant 0 : i32
    %dma_wait3A_60 = tpu.memref_slice %arg4[%add3A_31, %dma_wait3A_59] : memref<65536x32xf32, #tpu.memory_space<hbm>> -> memref<512x32xf32, #tpu.memory_space<hbm>>
    tpu.wait_dma2 semaphore(%arg18 : memref<!tpu.dma_semaphore, #tpu.memory_space<semaphore_mem>>) src(%dma_wait3A_60 : memref<512x32xf32, #tpu.memory_space<hbm>>) dst(%arg12 : memref<512x32xf32, #tpu.memory_space<vmem>>)
    %dma_start3A_61 = arith.constant 512 : i32
    %dma_start3A_62 = tpu.memref_slice %arg9[%dma_start3A_61] : memref<2048xi32, #tpu.memory_space<vmem>> -> memref<512xi32, #tpu.memory_space<vmem>>
    %dma_start3A_63 = arith.constant 0 : i32
    %dma_start3A_64 = arith.constant 0 : i32
    %dma_start3A_65 = tpu.memref_slice %arg3[%dma_start3A_63, %dma_start3A_64] : memref<32768x32xf32, #tpu.memory_space<hbm>> -> memref<32768x32xf32, #tpu.memory_space<hbm>>
    tpu.enqueue_indirect_dma source(%dma_start3A_65 : memref<32768x32xf32, #tpu.memory_space<hbm>>) target(%arg11 : memref<512x32xf32, #tpu.memory_space<vmem>>) offsets(%dma_start3A_62 : memref<512xi32, #tpu.memory_space<vmem>>) semaphore(%arg17 : memref<!tpu.dma_semaphore, #tpu.memory_space<semaphore_mem>>)
    %add3A_66 = arith.constant 512 : i32
    %add3A_67 = arith.addi %mul3A_2, %add3A_66 : i32
    %dma_start3A_68 = arith.constant 0 : i32
    %dma_start3A_69 = tpu.memref_slice %arg4[%add3A_67, %dma_start3A_68] : memref<65536x32xf32, #tpu.memory_space<hbm>> -> memref<512x32xf32, #tpu.memory_space<hbm>>
    %dma_start3A_70 = arith.constant 0 : i32
    %dma_start3A_71 = tpu.memref_slice %arg4[%add3A_67, %dma_start3A_70] : memref<65536x32xf32, #tpu.memory_space<hbm>> -> memref<512x32xf32, #tpu.memory_space<hbm>>
    tpu.enqueue_dma source(%dma_start3A_71 : memref<512x32xf32, #tpu.memory_space<hbm>>) target(%arg13 : memref<512x32xf32, #tpu.memory_space<vmem>>) target_semaphore(%arg19 : memref<!tpu.dma_semaphore, #tpu.memory_space<semaphore_mem>>)
    %add3A_72 = arith.constant 0 : i32
    %add3A_73 = arith.addi %mul3A_2, %add3A_72 : i32
    "tpu.region"() ({
      %run_scoped3A = tpu.sem_alloc : memref<!tpu.dma_semaphore, #tpu.memory_space<semaphore_mem>>
      %dma_start3A_156 = arith.constant 0 : i32
      %dma_start3A_157 = tpu.memref_slice %arg5[%add3A_73, %dma_start3A_156] : memref<65536x32xf32, #tpu.memory_space<hbm>> -> memref<512x32xf32, #tpu.memory_space<hbm>>
      %dma_start3A_158 = arith.constant 0 : i32
      %dma_start3A_159 = tpu.memref_slice %arg5[%add3A_73, %dma_start3A_158] : memref<65536x32xf32, #tpu.memory_space<hbm>> -> memref<512x32xf32, #tpu.memory_space<hbm>>
      tpu.enqueue_dma source(%arg10 : memref<512x32xf32, #tpu.memory_space<vmem>>) target(%dma_start3A_159 : memref<512x32xf32, #tpu.memory_space<hbm>>) target_semaphore(%run_scoped3A : memref<!tpu.dma_semaphore, #tpu.memory_space<semaphore_mem>>)
      %dma_wait3A_160 = arith.constant 0 : i32
      %dma_wait3A_161 = tpu.memref_slice %arg5[%add3A_73, %dma_wait3A_160] : memref<65536x32xf32, #tpu.memory_space<hbm>> -> memref<512x32xf32, #tpu.memory_space<hbm>>
      %dma_wait3A_162 = arith.constant 0 : i32
      %dma_wait3A_163 = tpu.memref_slice %arg5[%add3A_73, %dma_wait3A_162] : memref<65536x32xf32, #tpu.memory_space<hbm>> -> memref<512x32xf32, #tpu.memory_space<hbm>>
      tpu.wait_dma2 semaphore(%run_scoped3A : memref<!tpu.dma_semaphore, #tpu.memory_space<semaphore_mem>>) src(%arg10 : memref<512x32xf32, #tpu.memory_space<vmem>>) dst(%dma_wait3A_163 : memref<512x32xf32, #tpu.memory_space<hbm>>)
      tpu.yield
    }) : () -> ()
    %scan3A_74 = arith.constant 0 : i32
    %scan3A_75 = arith.constant 128 : i32
    %scan3A_76 = arith.addi %scan3A_74, %scan3A_75 : i32
    %scan3A_77 = arith.constant 1 : i32
    %scan3A_78 = scf.for %scan3A_156 = %scan3A_74 to %scan3A_76 step %scan3A_77 iter_args(%scan3A_157 = %broadcast_in_dim3A_52) -> (vector<16xf32>)  : i32 {
      %mul3A_158 = arith.constant 4 : i32
      %mul3A_159 = arith.muli %scan3A_156, %mul3A_158 : i32
      %add3A_160 = arith.constant 0 : i32
      %add3A_161 = arith.addi %mul3A_159, %add3A_160 : i32
      %get3A = arith.index_cast %add3A_161 : i32 to index
      %get3A_162 = arith.constant 0 : index
      %get3A_163 = tpu.vector_load %arg12[%get3A, %get3A_162] {strides = array<i32>} : memref<512x32xf32, #tpu.memory_space<vmem>>, vector<16xf32>,
      %mul3A_164 = arith.constant 4 : i32
      %mul3A_165 = arith.muli %scan3A_156, %mul3A_164 : i32
      %add3A_166 = arith.constant 0 : i32
      %add3A_167 = arith.addi %mul3A_165, %add3A_166 : i32
      %get3A_168 = arith.index_cast %add3A_167 : i32 to index
      %get3A_169 = arith.constant 0 : index
      %get3A_170 = tpu.vector_load %arg10[%get3A_168, %get3A_169] {strides = array<i32>} : memref<512x32xf32, #tpu.memory_space<vmem>>, vector<16xf32>,
      %sub3A = arith.subf %get3A_163, %get3A_170 : vector<16xf32>
      %mul3A_171 = arith.constant 4 : i32
      %mul3A_172 = arith.muli %scan3A_156, %mul3A_171 : i32
      %add3A_173 = arith.constant 0 : i32
      %add3A_174 = arith.addi %mul3A_172, %add3A_173 : i32
      %get3A_175 = arith.index_cast %add3A_174 : i32 to index
      %get3A_176 = arith.constant 16 : index
      %get3A_177 = tpu.vector_load %arg12[%get3A_175, %get3A_176] {strides = array<i32>} : memref<512x32xf32, #tpu.memory_space<vmem>>, vector<16xf32>,
      %mul3A_178 = arith.constant 4 : i32
      %mul3A_179 = arith.muli %scan3A_156, %mul3A_178 : i32
      %add3A_180 = arith.constant 0 : i32
      %add3A_181 = arith.addi %mul3A_179, %add3A_180 : i32
      %get3A_182 = arith.index_cast %add3A_181 : i32 to index
      %get3A_183 = arith.constant 16 : index
      %get3A_184 = tpu.vector_load %arg10[%get3A_182, %get3A_183] {strides = array<i32>} : memref<512x32xf32, #tpu.memory_space<vmem>>, vector<16xf32>,
      %sub3A_185 = arith.subf %get3A_177, %get3A_184 : vector<16xf32>
      %mul3A_186 = arith.mulf %sub3A, %sub3A : vector<16xf32>
      %mul3A_187 = arith.mulf %sub3A_185, %sub3A_185 : vector<16xf32>
      %add3A_188 = arith.addf %mul3A_186, %mul3A_187 : vector<16xf32>
      %add3A_189 = arith.addf %scan3A_157, %add3A_188 : vector<16xf32>
      %mul3A_190 = arith.constant 4 : i32
      %mul3A_191 = arith.muli %scan3A_156, %mul3A_190 : i32
      %add3A_192 = arith.constant 1 : i32
      %add3A_193 = arith.addi %mul3A_191, %add3A_192 : i32
      %get3A_194 = arith.index_cast %add3A_193 : i32 to index
      %get3A_195 = arith.constant 0 : index
      %get3A_196 = tpu.vector_load %arg12[%get3A_194, %get3A_195] {strides = array<i32>} : memref<512x32xf32, #tpu.memory_space<vmem>>, vector<16xf32>,
      %mul3A_197 = arith.constant 4 : i32
      %mul3A_198 = arith.muli %scan3A_156, %mul3A_197 : i32
      %add3A_199 = arith.constant 1 : i32
      %add3A_200 = arith.addi %mul3A_198, %add3A_199 : i32
      %get3A_201 = arith.index_cast %add3A_200 : i32 to index
      %get3A_202 = arith.constant 0 : index
      %get3A_203 = tpu.vector_load %arg10[%get3A_201, %get3A_202] {strides = array<i32>} : memref<512x32xf32, #tpu.memory_space<vmem>>, vector<16xf32>,
      %sub3A_204 = arith.subf %get3A_196, %get3A_203 : vector<16xf32>
      %mul3A_205 = arith.constant 4 : i32
      %mul3A_206 = arith.muli %scan3A_156, %mul3A_205 : i32
      %add3A_207 = arith.constant 1 : i32
      %add3A_208 = arith.addi %mul3A_206, %add3A_207 : i32
      %get3A_209 = arith.index_cast %add3A_208 : i32 to index
      %get3A_210 = arith.constant 16 : index
      %get3A_211 = tpu.vector_load %arg12[%get3A_209, %get3A_210] {strides = array<i32>} : memref<512x32xf32, #tpu.memory_space<vmem>>, vector<16xf32>,
      %mul3A_212 = arith.constant 4 : i32
      %mul3A_213 = arith.muli %scan3A_156, %mul3A_212 : i32
      %add3A_214 = arith.constant 1 : i32
      %add3A_215 = arith.addi %mul3A_213, %add3A_214 : i32
      %get3A_216 = arith.index_cast %add3A_215 : i32 to index
      %get3A_217 = arith.constant 16 : index
      %get3A_218 = tpu.vector_load %arg10[%get3A_216, %get3A_217] {strides = array<i32>} : memref<512x32xf32, #tpu.memory_space<vmem>>, vector<16xf32>,
      %sub3A_219 = arith.subf %get3A_211, %get3A_218 : vector<16xf32>
      %mul3A_220 = arith.mulf %sub3A_204, %sub3A_204 : vector<16xf32>
      %mul3A_221 = arith.mulf %sub3A_219, %sub3A_219 : vector<16xf32>
      %add3A_222 = arith.addf %mul3A_220, %mul3A_221 : vector<16xf32>
      %add3A_223 = arith.addf %add3A_189, %add3A_222 : vector<16xf32>
      %mul3A_224 = arith.constant 4 : i32
      %mul3A_225 = arith.muli %scan3A_156, %mul3A_224 : i32
      %add3A_226 = arith.constant 2 : i32
      %add3A_227 = arith.addi %mul3A_225, %add3A_226 : i32
      %get3A_228 = arith.index_cast %add3A_227 : i32 to index
      %get3A_229 = arith.constant 0 : index
      %get3A_230 = tpu.vector_load %arg12[%get3A_228, %get3A_229] {strides = array<i32>} : memref<512x32xf32, #tpu.memory_space<vmem>>, vector<16xf32>,
      %mul3A_231 = arith.constant 4 : i32
      %mul3A_232 = arith.muli %scan3A_156, %mul3A_231 : i32
      %add3A_233 = arith.constant 2 : i32
      %add3A_234 = arith.addi %mul3A_232, %add3A_233 : i32
      %get3A_235 = arith.index_cast %add3A_234 : i32 to index
      %get3A_236 = arith.constant 0 : index
      %get3A_237 = tpu.vector_load %arg10[%get3A_235, %get3A_236] {strides = array<i32>} : memref<512x32xf32, #tpu.memory_space<vmem>>, vector<16xf32>,
      %sub3A_238 = arith.subf %get3A_230, %get3A_237 : vector<16xf32>
      %mul3A_239 = arith.constant 4 : i32
      %mul3A_240 = arith.muli %scan3A_156, %mul3A_239 : i32
      %add3A_241 = arith.constant 2 : i32
      %add3A_242 = arith.addi %mul3A_240, %add3A_241 : i32
      %get3A_243 = arith.index_cast %add3A_242 : i32 to index
      %get3A_244 = arith.constant 16 : index
      %get3A_245 = tpu.vector_load %arg12[%get3A_243, %get3A_244] {strides = array<i32>} : memref<512x32xf32, #tpu.memory_space<vmem>>, vector<16xf32>,
      %mul3A_246 = arith.constant 4 : i32
      %mul3A_247 = arith.muli %scan3A_156, %mul3A_246 : i32
      %add3A_248 = arith.constant 2 : i32
      %add3A_249 = arith.addi %mul3A_247, %add3A_248 : i32
      %get3A_250 = arith.index_cast %add3A_249 : i32 to index
      %get3A_251 = arith.constant 16 : index
      %get3A_252 = tpu.vector_load %arg10[%get3A_250, %get3A_251] {strides = array<i32>} : memref<512x32xf32, #tpu.memory_space<vmem>>, vector<16xf32>,
      %sub3A_253 = arith.subf %get3A_245, %get3A_252 : vector<16xf32>
      %mul3A_254 = arith.mulf %sub3A_238, %sub3A_238 : vector<16xf32>
      %mul3A_255 = arith.mulf %sub3A_253, %sub3A_253 : vector<16xf32>
      %add3A_256 = arith.addf %mul3A_254, %mul3A_255 : vector<16xf32>
      %add3A_257 = arith.addf %add3A_223, %add3A_256 : vector<16xf32>
      %mul3A_258 = arith.constant 4 : i32
      %mul3A_259 = arith.muli %scan3A_156, %mul3A_258 : i32
      %add3A_260 = arith.constant 3 : i32
      %add3A_261 = arith.addi %mul3A_259, %add3A_260 : i32
      %get3A_262 = arith.index_cast %add3A_261 : i32 to index
      %get3A_263 = arith.constant 0 : index
      %get3A_264 = tpu.vector_load %arg12[%get3A_262, %get3A_263] {strides = array<i32>} : memref<512x32xf32, #tpu.memory_space<vmem>>, vector<16xf32>,
      %mul3A_265 = arith.constant 4 : i32
      %mul3A_266 = arith.muli %scan3A_156, %mul3A_265 : i32
      %add3A_267 = arith.constant 3 : i32
      %add3A_268 = arith.addi %mul3A_266, %add3A_267 : i32
      %get3A_269 = arith.index_cast %add3A_268 : i32 to index
      %get3A_270 = arith.constant 0 : index
      %get3A_271 = tpu.vector_load %arg10[%get3A_269, %get3A_270] {strides = array<i32>} : memref<512x32xf32, #tpu.memory_space<vmem>>, vector<16xf32>,
      %sub3A_272 = arith.subf %get3A_264, %get3A_271 : vector<16xf32>
      %mul3A_273 = arith.constant 4 : i32
      %mul3A_274 = arith.muli %scan3A_156, %mul3A_273 : i32
      %add3A_275 = arith.constant 3 : i32
      %add3A_276 = arith.addi %mul3A_274, %add3A_275 : i32
      %get3A_277 = arith.index_cast %add3A_276 : i32 to index
      %get3A_278 = arith.constant 16 : index
      %get3A_279 = tpu.vector_load %arg12[%get3A_277, %get3A_278] {strides = array<i32>} : memref<512x32xf32, #tpu.memory_space<vmem>>, vector<16xf32>,
      %mul3A_280 = arith.constant 4 : i32
      %mul3A_281 = arith.muli %scan3A_156, %mul3A_280 : i32
      %add3A_282 = arith.constant 3 : i32
      %add3A_283 = arith.addi %mul3A_281, %add3A_282 : i32
      %get3A_284 = arith.index_cast %add3A_283 : i32 to index
      %get3A_285 = arith.constant 16 : index
      %get3A_286 = tpu.vector_load %arg10[%get3A_284, %get3A_285] {strides = array<i32>} : memref<512x32xf32, #tpu.memory_space<vmem>>, vector<16xf32>,
      %sub3A_287 = arith.subf %get3A_279, %get3A_286 : vector<16xf32>
      %mul3A_288 = arith.mulf %sub3A_272, %sub3A_272 : vector<16xf32>
      %mul3A_289 = arith.mulf %sub3A_287, %sub3A_287 : vector<16xf32>
      %add3A_290 = arith.addf %mul3A_288, %mul3A_289 : vector<16xf32>
      %add3A_291 = arith.addf %add3A_257, %add3A_290 : vector<16xf32>
      scf.yield %add3A_291 : vector<16xf32>
    }
    %scan3A_79 = arith.constant 128 : i32
    %dma_wait3A_80 = arith.constant 512 : i32
    %dma_wait3A_81 = tpu.memref_slice %arg9[%dma_wait3A_80] : memref<2048xi32, #tpu.memory_space<vmem>> -> memref<512xi32, #tpu.memory_space<vmem>>
    %dma_wait3A_82 = arith.constant 0 : i32
    %dma_wait3A_83 = arith.constant 0 : i32
    %dma_wait3A_84 = tpu.memref_slice %arg3[%dma_wait3A_82, %dma_wait3A_83] : memref<32768x32xf32, #tpu.memory_space<hbm>> -> memref<32768x32xf32, #tpu.memory_space<hbm>>
    tpu.wait_indirect_dma semaphore(%arg17 : memref<!tpu.dma_semaphore, #tpu.memory_space<semaphore_mem>>) src(%dma_wait3A_84 : memref<32768x32xf32, #tpu.memory_space<hbm>>) dst(%arg11 : memref<512x32xf32, #tpu.memory_space<vmem>>)
    %dma_wait3A_85 = arith.constant 0 : i32
    %dma_wait3A_86 = tpu.memref_slice %arg4[%add3A_67, %dma_wait3A_85] : memref<65536x32xf32, #tpu.memory_space<hbm>> -> memref<512x32xf32, #tpu.memory_space<hbm>>
    %dma_wait3A_87 = arith.constant 0 : i32
    %dma_wait3A_88 = tpu.memref_slice %arg4[%add3A_67, %dma_wait3A_87] : memref<65536x32xf32, #tpu.memory_space<hbm>> -> memref<512x32xf32, #tpu.memory_space<hbm>>
    tpu.wait_dma2 semaphore(%arg19 : memref<!tpu.dma_semaphore, #tpu.memory_space<semaphore_mem>>) src(%dma_wait3A_88 : memref<512x32xf32, #tpu.memory_space<hbm>>) dst(%arg13 : memref<512x32xf32, #tpu.memory_space<vmem>>)
    %dma_start3A_89 = arith.constant 1024 : i32
    %dma_start3A_90 = tpu.memref_slice %arg9[%dma_start3A_89] : memref<2048xi32, #tpu.memory_space<vmem>> -> memref<512xi32, #tpu.memory_space<vmem>>
    %dma_start3A_91 = arith.constant 0 : i32
    %dma_start3A_92 = arith.constant 0 : i32
    %dma_start3A_93 = tpu.memref_slice %arg3[%dma_start3A_91, %dma_start3A_92] : memref<32768x32xf32, #tpu.memory_space<hbm>> -> memref<32768x32xf32, #tpu.memory_space<hbm>>
    tpu.enqueue_indirect_dma source(%dma_start3A_93 : memref<32768x32xf32, #tpu.memory_space<hbm>>) target(%arg10 : memref<512x32xf32, #tpu.memory_space<vmem>>) offsets(%dma_start3A_90 : memref<512xi32, #tpu.memory_space<vmem>>) semaphore(%arg16 : memref<!tpu.dma_semaphore, #tpu.memory_space<semaphore_mem>>)
    %add3A_94 = arith.constant 1024 : i32
    %add3A_95 = arith.addi %mul3A_2, %add3A_94 : i32
    %dma_start3A_96 = arith.constant 0 : i32
    %dma_start3A_97 = tpu.memref_slice %arg4[%add3A_95, %dma_start3A_96] : memref<65536x32xf32, #tpu.memory_space<hbm>> -> memref<512x32xf32, #tpu.memory_space<hbm>>
    %dma_start3A_98 = arith.constant 0 : i32
    %dma_start3A_99 = tpu.memref_slice %arg4[%add3A_95, %dma_start3A_98] : memref<65536x32xf32, #tpu.memory_space<hbm>> -> memref<512x32xf32, #tpu.memory_space<hbm>>
    tpu.enqueue_dma source(%dma_start3A_99 : memref<512x32xf32, #tpu.memory_space<hbm>>) target(%arg12 : memref<512x32xf32, #tpu.memory_space<vmem>>) target_semaphore(%arg18 : memref<!tpu.dma_semaphore, #tpu.memory_space<semaphore_mem>>)
    %add3A_100 = arith.constant 512 : i32
    %add3A_101 = arith.addi %mul3A_2, %add3A_100 : i32
    "tpu.region"() ({
      %run_scoped3A = tpu.sem_alloc : memref<!tpu.dma_semaphore, #tpu.memory_space<semaphore_mem>>
      %dma_start3A_156 = arith.constant 0 : i32
      %dma_start3A_157 = tpu.memref_slice %arg5[%add3A_101, %dma_start3A_156] : memref<65536x32xf32, #tpu.memory_space<hbm>> -> memref<512x32xf32, #tpu.memory_space<hbm>>
      %dma_start3A_158 = arith.constant 0 : i32
      %dma_start3A_159 = tpu.memref_slice %arg5[%add3A_101, %dma_start3A_158] : memref<65536x32xf32, #tpu.memory_space<hbm>> -> memref<512x32xf32, #tpu.memory_space<hbm>>
      tpu.enqueue_dma source(%arg11 : memref<512x32xf32, #tpu.memory_space<vmem>>) target(%dma_start3A_159 : memref<512x32xf32, #tpu.memory_space<hbm>>) target_semaphore(%run_scoped3A : memref<!tpu.dma_semaphore, #tpu.memory_space<semaphore_mem>>)
      %dma_wait3A_160 = arith.constant 0 : i32
      %dma_wait3A_161 = tpu.memref_slice %arg5[%add3A_101, %dma_wait3A_160] : memref<65536x32xf32, #tpu.memory_space<hbm>> -> memref<512x32xf32, #tpu.memory_space<hbm>>
      %dma_wait3A_162 = arith.constant 0 : i32
      %dma_wait3A_163 = tpu.memref_slice %arg5[%add3A_101, %dma_wait3A_162] : memref<65536x32xf32, #tpu.memory_space<hbm>> -> memref<512x32xf32, #tpu.memory_space<hbm>>
      tpu.wait_dma2 semaphore(%run_scoped3A : memref<!tpu.dma_semaphore, #tpu.memory_space<semaphore_mem>>) src(%arg11 : memref<512x32xf32, #tpu.memory_space<vmem>>) dst(%dma_wait3A_163 : memref<512x32xf32, #tpu.memory_space<hbm>>)
      tpu.yield
    }) : () -> ()
    %scan3A_102 = arith.constant 0 : i32
    %scan3A_103 = arith.constant 128 : i32
    %scan3A_104 = arith.addi %scan3A_102, %scan3A_103 : i32
    %scan3A_105 = arith.constant 1 : i32
    %scan3A_106 = scf.for %scan3A_156 = %scan3A_102 to %scan3A_104 step %scan3A_105 iter_args(%scan3A_157 = %scan3A_78) -> (vector<16xf32>)  : i32 {
      %mul3A_158 = arith.constant 4 : i32
      %mul3A_159 = arith.muli %scan3A_156, %mul3A_158 : i32
      %add3A_160 = arith.constant 0 : i32
      %add3A_161 = arith.addi %mul3A_159, %add3A_160 : i32
      %get3A = arith.index_cast %add3A_161 : i32 to index
      %get3A_162 = arith.constant 0 : index
      %get3A_163 = tpu.vector_load %arg13[%get3A, %get3A_162] {strides = array<i32>} : memref<512x32xf32, #tpu.memory_space<vmem>>, vector<16xf32>,
      %mul3A_164 = arith.constant 4 : i32
      %mul3A_165 = arith.muli %scan3A_156, %mul3A_164 : i32
      %add3A_166 = arith.constant 0 : i32
      %add3A_167 = arith.addi %mul3A_165, %add3A_166 : i32
      %get3A_168 = arith.index_cast %add3A_167 : i32 to index
      %get3A_169 = arith.constant 0 : index
      %get3A_170 = tpu.vector_load %arg11[%get3A_168, %get3A_169] {strides = array<i32>} : memref<512x32xf32, #tpu.memory_space<vmem>>, vector<16xf32>,
      %sub3A = arith.subf %get3A_163, %get3A_170 : vector<16xf32>
      %mul3A_171 = arith.constant 4 : i32
      %mul3A_172 = arith.muli %scan3A_156, %mul3A_171 : i32
      %add3A_173 = arith.constant 0 : i32
      %add3A_174 = arith.addi %mul3A_172, %add3A_173 : i32
      %get3A_175 = arith.index_cast %add3A_174 : i32 to index
      %get3A_176 = arith.constant 16 : index
      %get3A_177 = tpu.vector_load %arg13[%get3A_175, %get3A_176] {strides = array<i32>} : memref<512x32xf32, #tpu.memory_space<vmem>>, vector<16xf32>,
      %mul3A_178 = arith.constant 4 : i32
      %mul3A_179 = arith.muli %scan3A_156, %mul3A_178 : i32
      %add3A_180 = arith.constant 0 : i32
      %add3A_181 = arith.addi %mul3A_179, %add3A_180 : i32
      %get3A_182 = arith.index_cast %add3A_181 : i32 to index
      %get3A_183 = arith.constant 16 : index
      %get3A_184 = tpu.vector_load %arg11[%get3A_182, %get3A_183] {strides = array<i32>} : memref<512x32xf32, #tpu.memory_space<vmem>>, vector<16xf32>,
      %sub3A_185 = arith.subf %get3A_177, %get3A_184 : vector<16xf32>
      %mul3A_186 = arith.mulf %sub3A, %sub3A : vector<16xf32>
      %mul3A_187 = arith.mulf %sub3A_185, %sub3A_185 : vector<16xf32>
      %add3A_188 = arith.addf %mul3A_186, %mul3A_187 : vector<16xf32>
      %add3A_189 = arith.addf %scan3A_157, %add3A_188 : vector<16xf32>
      %mul3A_190 = arith.constant 4 : i32
      %mul3A_191 = arith.muli %scan3A_156, %mul3A_190 : i32
      %add3A_192 = arith.constant 1 : i32
      %add3A_193 = arith.addi %mul3A_191, %add3A_192 : i32
      %get3A_194 = arith.index_cast %add3A_193 : i32 to index
      %get3A_195 = arith.constant 0 : index
      %get3A_196 = tpu.vector_load %arg13[%get3A_194, %get3A_195] {strides = array<i32>} : memref<512x32xf32, #tpu.memory_space<vmem>>, vector<16xf32>,
      %mul3A_197 = arith.constant 4 : i32
      %mul3A_198 = arith.muli %scan3A_156, %mul3A_197 : i32
      %add3A_199 = arith.constant 1 : i32
      %add3A_200 = arith.addi %mul3A_198, %add3A_199 : i32
      %get3A_201 = arith.index_cast %add3A_200 : i32 to index
      %get3A_202 = arith.constant 0 : index
      %get3A_203 = tpu.vector_load %arg11[%get3A_201, %get3A_202] {strides = array<i32>} : memref<512x32xf32, #tpu.memory_space<vmem>>, vector<16xf32>,
      %sub3A_204 = arith.subf %get3A_196, %get3A_203 : vector<16xf32>
      %mul3A_205 = arith.constant 4 : i32
      %mul3A_206 = arith.muli %scan3A_156, %mul3A_205 : i32
      %add3A_207 = arith.constant 1 : i32
      %add3A_208 = arith.addi %mul3A_206, %add3A_207 : i32
      %get3A_209 = arith.index_cast %add3A_208 : i32 to index
      %get3A_210 = arith.constant 16 : index
      %get3A_211 = tpu.vector_load %arg13[%get3A_209, %get3A_210] {strides = array<i32>} : memref<512x32xf32, #tpu.memory_space<vmem>>, vector<16xf32>,
      %mul3A_212 = arith.constant 4 : i32
      %mul3A_213 = arith.muli %scan3A_156, %mul3A_212 : i32
      %add3A_214 = arith.constant 1 : i32
      %add3A_215 = arith.addi %mul3A_213, %add3A_214 : i32
      %get3A_216 = arith.index_cast %add3A_215 : i32 to index
      %get3A_217 = arith.constant 16 : index
      %get3A_218 = tpu.vector_load %arg11[%get3A_216, %get3A_217] {strides = array<i32>} : memref<512x32xf32, #tpu.memory_space<vmem>>, vector<16xf32>,
      %sub3A_219 = arith.subf %get3A_211, %get3A_218 : vector<16xf32>
      %mul3A_220 = arith.mulf %sub3A_204, %sub3A_204 : vector<16xf32>
      %mul3A_221 = arith.mulf %sub3A_219, %sub3A_219 : vector<16xf32>
      %add3A_222 = arith.addf %mul3A_220, %mul3A_221 : vector<16xf32>
      %add3A_223 = arith.addf %add3A_189, %add3A_222 : vector<16xf32>
      %mul3A_224 = arith.constant 4 : i32
      %mul3A_225 = arith.muli %scan3A_156, %mul3A_224 : i32
      %add3A_226 = arith.constant 2 : i32
      %add3A_227 = arith.addi %mul3A_225, %add3A_226 : i32
      %get3A_228 = arith.index_cast %add3A_227 : i32 to index
      %get3A_229 = arith.constant 0 : index
      %get3A_230 = tpu.vector_load %arg13[%get3A_228, %get3A_229] {strides = array<i32>} : memref<512x32xf32, #tpu.memory_space<vmem>>, vector<16xf32>,
      %mul3A_231 = arith.constant 4 : i32
      %mul3A_232 = arith.muli %scan3A_156, %mul3A_231 : i32
      %add3A_233 = arith.constant 2 : i32
      %add3A_234 = arith.addi %mul3A_232, %add3A_233 : i32
      %get3A_235 = arith.index_cast %add3A_234 : i32 to index
      %get3A_236 = arith.constant 0 : index
      %get3A_237 = tpu.vector_load %arg11[%get3A_235, %get3A_236] {strides = array<i32>} : memref<512x32xf32, #tpu.memory_space<vmem>>, vector<16xf32>,
      %sub3A_238 = arith.subf %get3A_230, %get3A_237 : vector<16xf32>
      %mul3A_239 = arith.constant 4 : i32
      %mul3A_240 = arith.muli %scan3A_156, %mul3A_239 : i32
      %add3A_241 = arith.constant 2 : i32
      %add3A_242 = arith.addi %mul3A_240, %add3A_241 : i32
      %get3A_243 = arith.index_cast %add3A_242 : i32 to index
      %get3A_244 = arith.constant 16 : index
      %get3A_245 = tpu.vector_load %arg13[%get3A_243, %get3A_244] {strides = array<i32>} : memref<512x32xf32, #tpu.memory_space<vmem>>, vector<16xf32>,
      %mul3A_246 = arith.constant 4 : i32
      %mul3A_247 = arith.muli %scan3A_156, %mul3A_246 : i32
      %add3A_248 = arith.constant 2 : i32
      %add3A_249 = arith.addi %mul3A_247, %add3A_248 : i32
      %get3A_250 = arith.index_cast %add3A_249 : i32 to index
      %get3A_251 = arith.constant 16 : index
      %get3A_252 = tpu.vector_load %arg11[%get3A_250, %get3A_251] {strides = array<i32>} : memref<512x32xf32, #tpu.memory_space<vmem>>, vector<16xf32>,
      %sub3A_253 = arith.subf %get3A_245, %get3A_252 : vector<16xf32>
      %mul3A_254 = arith.mulf %sub3A_238, %sub3A_238 : vector<16xf32>
      %mul3A_255 = arith.mulf %sub3A_253, %sub3A_253 : vector<16xf32>
      %add3A_256 = arith.addf %mul3A_254, %mul3A_255 : vector<16xf32>
      %add3A_257 = arith.addf %add3A_223, %add3A_256 : vector<16xf32>
      %mul3A_258 = arith.constant 4 : i32
      %mul3A_259 = arith.muli %scan3A_156, %mul3A_258 : i32
      %add3A_260 = arith.constant 3 : i32
      %add3A_261 = arith.addi %mul3A_259, %add3A_260 : i32
      %get3A_262 = arith.index_cast %add3A_261 : i32 to index
      %get3A_263 = arith.constant 0 : index
      %get3A_264 = tpu.vector_load %arg13[%get3A_262, %get3A_263] {strides = array<i32>} : memref<512x32xf32, #tpu.memory_space<vmem>>, vector<16xf32>,
      %mul3A_265 = arith.constant 4 : i32
      %mul3A_266 = arith.muli %scan3A_156, %mul3A_265 : i32
      %add3A_267 = arith.constant 3 : i32
      %add3A_268 = arith.addi %mul3A_266, %add3A_267 : i32
      %get3A_269 = arith.index_cast %add3A_268 : i32 to index
      %get3A_270 = arith.constant 0 : index
      %get3A_271 = tpu.vector_load %arg11[%get3A_269, %get3A_270] {strides = array<i32>} : memref<512x32xf32, #tpu.memory_space<vmem>>, vector<16xf32>,
      %sub3A_272 = arith.subf %get3A_264, %get3A_271 : vector<16xf32>
      %mul3A_273 = arith.constant 4 : i32
      %mul3A_274 = arith.muli %scan3A_156, %mul3A_273 : i32
      %add3A_275 = arith.constant 3 : i32
      %add3A_276 = arith.addi %mul3A_274, %add3A_275 : i32
      %get3A_277 = arith.index_cast %add3A_276 : i32 to index
      %get3A_278 = arith.constant 16 : index
      %get3A_279 = tpu.vector_load %arg13[%get3A_277, %get3A_278] {strides = array<i32>} : memref<512x32xf32, #tpu.memory_space<vmem>>, vector<16xf32>,
      %mul3A_280 = arith.constant 4 : i32
      %mul3A_281 = arith.muli %scan3A_156, %mul3A_280 : i32
      %add3A_282 = arith.constant 3 : i32
      %add3A_283 = arith.addi %mul3A_281, %add3A_282 : i32
      %get3A_284 = arith.index_cast %add3A_283 : i32 to index
      %get3A_285 = arith.constant 16 : index
      %get3A_286 = tpu.vector_load %arg11[%get3A_284, %get3A_285] {strides = array<i32>} : memref<512x32xf32, #tpu.memory_space<vmem>>, vector<16xf32>,
      %sub3A_287 = arith.subf %get3A_279, %get3A_286 : vector<16xf32>
      %mul3A_288 = arith.mulf %sub3A_272, %sub3A_272 : vector<16xf32>
      %mul3A_289 = arith.mulf %sub3A_287, %sub3A_287 : vector<16xf32>
      %add3A_290 = arith.addf %mul3A_288, %mul3A_289 : vector<16xf32>
      %add3A_291 = arith.addf %add3A_257, %add3A_290 : vector<16xf32>
      scf.yield %add3A_291 : vector<16xf32>
    }
    %scan3A_107 = arith.constant 128 : i32
    %dma_wait3A_108 = arith.constant 1024 : i32
    %dma_wait3A_109 = tpu.memref_slice %arg9[%dma_wait3A_108] : memref<2048xi32, #tpu.memory_space<vmem>> -> memref<512xi32, #tpu.memory_space<vmem>>
    %dma_wait3A_110 = arith.constant 0 : i32
    %dma_wait3A_111 = arith.constant 0 : i32
    %dma_wait3A_112 = tpu.memref_slice %arg3[%dma_wait3A_110, %dma_wait3A_111] : memref<32768x32xf32, #tpu.memory_space<hbm>> -> memref<32768x32xf32, #tpu.memory_space<hbm>>
    tpu.wait_indirect_dma semaphore(%arg16 : memref<!tpu.dma_semaphore, #tpu.memory_space<semaphore_mem>>) src(%dma_wait3A_112 : memref<32768x32xf32, #tpu.memory_space<hbm>>) dst(%arg10 : memref<512x32xf32, #tpu.memory_space<vmem>>)
    %dma_wait3A_113 = arith.constant 0 : i32
    %dma_wait3A_114 = tpu.memref_slice %arg4[%add3A_95, %dma_wait3A_113] : memref<65536x32xf32, #tpu.memory_space<hbm>> -> memref<512x32xf32, #tpu.memory_space<hbm>>
    %dma_wait3A_115 = arith.constant 0 : i32
    %dma_wait3A_116 = tpu.memref_slice %arg4[%add3A_95, %dma_wait3A_115] : memref<65536x32xf32, #tpu.memory_space<hbm>> -> memref<512x32xf32, #tpu.memory_space<hbm>>
    tpu.wait_dma2 semaphore(%arg18 : memref<!tpu.dma_semaphore, #tpu.memory_space<semaphore_mem>>) src(%dma_wait3A_116 : memref<512x32xf32, #tpu.memory_space<hbm>>) dst(%arg12 : memref<512x32xf32, #tpu.memory_space<vmem>>)
    %dma_start3A_117 = arith.constant 1536 : i32
    %dma_start3A_118 = tpu.memref_slice %arg9[%dma_start3A_117] : memref<2048xi32, #tpu.memory_space<vmem>> -> memref<512xi32, #tpu.memory_space<vmem>>
    %dma_start3A_119 = arith.constant 0 : i32
    %dma_start3A_120 = arith.constant 0 : i32
    %dma_start3A_121 = tpu.memref_slice %arg3[%dma_start3A_119, %dma_start3A_120] : memref<32768x32xf32, #tpu.memory_space<hbm>> -> memref<32768x32xf32, #tpu.memory_space<hbm>>
    tpu.enqueue_indirect_dma source(%dma_start3A_121 : memref<32768x32xf32, #tpu.memory_space<hbm>>) target(%arg11 : memref<512x32xf32, #tpu.memory_space<vmem>>) offsets(%dma_start3A_118 : memref<512xi32, #tpu.memory_space<vmem>>) semaphore(%arg17 : memref<!tpu.dma_semaphore, #tpu.memory_space<semaphore_mem>>)
    %add3A_122 = arith.constant 1536 : i32
    %add3A_123 = arith.addi %mul3A_2, %add3A_122 : i32
    %dma_start3A_124 = arith.constant 0 : i32
    %dma_start3A_125 = tpu.memref_slice %arg4[%add3A_123, %dma_start3A_124] : memref<65536x32xf32, #tpu.memory_space<hbm>> -> memref<512x32xf32, #tpu.memory_space<hbm>>
    %dma_start3A_126 = arith.constant 0 : i32
    %dma_start3A_127 = tpu.memref_slice %arg4[%add3A_123, %dma_start3A_126] : memref<65536x32xf32, #tpu.memory_space<hbm>> -> memref<512x32xf32, #tpu.memory_space<hbm>>
    tpu.enqueue_dma source(%dma_start3A_127 : memref<512x32xf32, #tpu.memory_space<hbm>>) target(%arg13 : memref<512x32xf32, #tpu.memory_space<vmem>>) target_semaphore(%arg19 : memref<!tpu.dma_semaphore, #tpu.memory_space<semaphore_mem>>)
    %add3A_128 = arith.constant 1024 : i32
    %add3A_129 = arith.addi %mul3A_2, %add3A_128 : i32
    "tpu.region"() ({
      %run_scoped3A = tpu.sem_alloc : memref<!tpu.dma_semaphore, #tpu.memory_space<semaphore_mem>>
      %dma_start3A_156 = arith.constant 0 : i32
      %dma_start3A_157 = tpu.memref_slice %arg5[%add3A_129, %dma_start3A_156] : memref<65536x32xf32, #tpu.memory_space<hbm>> -> memref<512x32xf32, #tpu.memory_space<hbm>>
      %dma_start3A_158 = arith.constant 0 : i32
      %dma_start3A_159 = tpu.memref_slice %arg5[%add3A_129, %dma_start3A_158] : memref<65536x32xf32, #tpu.memory_space<hbm>> -> memref<512x32xf32, #tpu.memory_space<hbm>>
      tpu.enqueue_dma source(%arg10 : memref<512x32xf32, #tpu.memory_space<vmem>>) target(%dma_start3A_159 : memref<512x32xf32, #tpu.memory_space<hbm>>) target_semaphore(%run_scoped3A : memref<!tpu.dma_semaphore, #tpu.memory_space<semaphore_mem>>)
      %dma_wait3A_160 = arith.constant 0 : i32
      %dma_wait3A_161 = tpu.memref_slice %arg5[%add3A_129, %dma_wait3A_160] : memref<65536x32xf32, #tpu.memory_space<hbm>> -> memref<512x32xf32, #tpu.memory_space<hbm>>
      %dma_wait3A_162 = arith.constant 0 : i32
      %dma_wait3A_163 = tpu.memref_slice %arg5[%add3A_129, %dma_wait3A_162] : memref<65536x32xf32, #tpu.memory_space<hbm>> -> memref<512x32xf32, #tpu.memory_space<hbm>>
      tpu.wait_dma2 semaphore(%run_scoped3A : memref<!tpu.dma_semaphore, #tpu.memory_space<semaphore_mem>>) src(%arg10 : memref<512x32xf32, #tpu.memory_space<vmem>>) dst(%dma_wait3A_163 : memref<512x32xf32, #tpu.memory_space<hbm>>)
      tpu.yield
    }) : () -> ()
    %scan3A_130 = arith.constant 0 : i32
    %scan3A_131 = arith.constant 128 : i32
    %scan3A_132 = arith.addi %scan3A_130, %scan3A_131 : i32
    %scan3A_133 = arith.constant 1 : i32
    %scan3A_134 = scf.for %scan3A_156 = %scan3A_130 to %scan3A_132 step %scan3A_133 iter_args(%scan3A_157 = %scan3A_106) -> (vector<16xf32>)  : i32 {
      %mul3A_158 = arith.constant 4 : i32
      %mul3A_159 = arith.muli %scan3A_156, %mul3A_158 : i32
      %add3A_160 = arith.constant 0 : i32
      %add3A_161 = arith.addi %mul3A_159, %add3A_160 : i32
      %get3A = arith.index_cast %add3A_161 : i32 to index
      %get3A_162 = arith.constant 0 : index
      %get3A_163 = tpu.vector_load %arg12[%get3A, %get3A_162] {strides = array<i32>} : memref<512x32xf32, #tpu.memory_space<vmem>>, vector<16xf32>,
      %mul3A_164 = arith.constant 4 : i32
      %mul3A_165 = arith.muli %scan3A_156, %mul3A_164 : i32
      %add3A_166 = arith.constant 0 : i32
      %add3A_167 = arith.addi %mul3A_165, %add3A_166 : i32
      %get3A_168 = arith.index_cast %add3A_167 : i32 to index
      %get3A_169 = arith.constant 0 : index
      %get3A_170 = tpu.vector_load %arg10[%get3A_168, %get3A_169] {strides = array<i32>} : memref<512x32xf32, #tpu.memory_space<vmem>>, vector<16xf32>,
      %sub3A = arith.subf %get3A_163, %get3A_170 : vector<16xf32>
      %mul3A_171 = arith.constant 4 : i32
      %mul3A_172 = arith.muli %scan3A_156, %mul3A_171 : i32
      %add3A_173 = arith.constant 0 : i32
      %add3A_174 = arith.addi %mul3A_172, %add3A_173 : i32
      %get3A_175 = arith.index_cast %add3A_174 : i32 to index
      %get3A_176 = arith.constant 16 : index
      %get3A_177 = tpu.vector_load %arg12[%get3A_175, %get3A_176] {strides = array<i32>} : memref<512x32xf32, #tpu.memory_space<vmem>>, vector<16xf32>,
      %mul3A_178 = arith.constant 4 : i32
      %mul3A_179 = arith.muli %scan3A_156, %mul3A_178 : i32
      %add3A_180 = arith.constant 0 : i32
      %add3A_181 = arith.addi %mul3A_179, %add3A_180 : i32
      %get3A_182 = arith.index_cast %add3A_181 : i32 to index
      %get3A_183 = arith.constant 16 : index
      %get3A_184 = tpu.vector_load %arg10[%get3A_182, %get3A_183] {strides = array<i32>} : memref<512x32xf32, #tpu.memory_space<vmem>>, vector<16xf32>,
      %sub3A_185 = arith.subf %get3A_177, %get3A_184 : vector<16xf32>
      %mul3A_186 = arith.mulf %sub3A, %sub3A : vector<16xf32>
      %mul3A_187 = arith.mulf %sub3A_185, %sub3A_185 : vector<16xf32>
      %add3A_188 = arith.addf %mul3A_186, %mul3A_187 : vector<16xf32>
      %add3A_189 = arith.addf %scan3A_157, %add3A_188 : vector<16xf32>
      %mul3A_190 = arith.constant 4 : i32
      %mul3A_191 = arith.muli %scan3A_156, %mul3A_190 : i32
      %add3A_192 = arith.constant 1 : i32
      %add3A_193 = arith.addi %mul3A_191, %add3A_192 : i32
      %get3A_194 = arith.index_cast %add3A_193 : i32 to index
      %get3A_195 = arith.constant 0 : index
      %get3A_196 = tpu.vector_load %arg12[%get3A_194, %get3A_195] {strides = array<i32>} : memref<512x32xf32, #tpu.memory_space<vmem>>, vector<16xf32>,
      %mul3A_197 = arith.constant 4 : i32
      %mul3A_198 = arith.muli %scan3A_156, %mul3A_197 : i32
      %add3A_199 = arith.constant 1 : i32
      %add3A_200 = arith.addi %mul3A_198, %add3A_199 : i32
      %get3A_201 = arith.index_cast %add3A_200 : i32 to index
      %get3A_202 = arith.constant 0 : index
      %get3A_203 = tpu.vector_load %arg10[%get3A_201, %get3A_202] {strides = array<i32>} : memref<512x32xf32, #tpu.memory_space<vmem>>, vector<16xf32>,
      %sub3A_204 = arith.subf %get3A_196, %get3A_203 : vector<16xf32>
      %mul3A_205 = arith.constant 4 : i32
      %mul3A_206 = arith.muli %scan3A_156, %mul3A_205 : i32
      %add3A_207 = arith.constant 1 : i32
      %add3A_208 = arith.addi %mul3A_206, %add3A_207 : i32
      %get3A_209 = arith.index_cast %add3A_208 : i32 to index
      %get3A_210 = arith.constant 16 : index
      %get3A_211 = tpu.vector_load %arg12[%get3A_209, %get3A_210] {strides = array<i32>} : memref<512x32xf32, #tpu.memory_space<vmem>>, vector<16xf32>,
      %mul3A_212 = arith.constant 4 : i32
      %mul3A_213 = arith.muli %scan3A_156, %mul3A_212 : i32
      %add3A_214 = arith.constant 1 : i32
      %add3A_215 = arith.addi %mul3A_213, %add3A_214 : i32
      %get3A_216 = arith.index_cast %add3A_215 : i32 to index
      %get3A_217 = arith.constant 16 : index
      %get3A_218 = tpu.vector_load %arg10[%get3A_216, %get3A_217] {strides = array<i32>} : memref<512x32xf32, #tpu.memory_space<vmem>>, vector<16xf32>,
      %sub3A_219 = arith.subf %get3A_211, %get3A_218 : vector<16xf32>
      %mul3A_220 = arith.mulf %sub3A_204, %sub3A_204 : vector<16xf32>
      %mul3A_221 = arith.mulf %sub3A_219, %sub3A_219 : vector<16xf32>
      %add3A_222 = arith.addf %mul3A_220, %mul3A_221 : vector<16xf32>
      %add3A_223 = arith.addf %add3A_189, %add3A_222 : vector<16xf32>
      %mul3A_224 = arith.constant 4 : i32
      %mul3A_225 = arith.muli %scan3A_156, %mul3A_224 : i32
      %add3A_226 = arith.constant 2 : i32
      %add3A_227 = arith.addi %mul3A_225, %add3A_226 : i32
      %get3A_228 = arith.index_cast %add3A_227 : i32 to index
      %get3A_229 = arith.constant 0 : index
      %get3A_230 = tpu.vector_load %arg12[%get3A_228, %get3A_229] {strides = array<i32>} : memref<512x32xf32, #tpu.memory_space<vmem>>, vector<16xf32>,
      %mul3A_231 = arith.constant 4 : i32
      %mul3A_232 = arith.muli %scan3A_156, %mul3A_231 : i32
      %add3A_233 = arith.constant 2 : i32
      %add3A_234 = arith.addi %mul3A_232, %add3A_233 : i32
      %get3A_235 = arith.index_cast %add3A_234 : i32 to index
      %get3A_236 = arith.constant 0 : index
      %get3A_237 = tpu.vector_load %arg10[%get3A_235, %get3A_236] {strides = array<i32>} : memref<512x32xf32, #tpu.memory_space<vmem>>, vector<16xf32>,
      %sub3A_238 = arith.subf %get3A_230, %get3A_237 : vector<16xf32>
      %mul3A_239 = arith.constant 4 : i32
      %mul3A_240 = arith.muli %scan3A_156, %mul3A_239 : i32
      %add3A_241 = arith.constant 2 : i32
      %add3A_242 = arith.addi %mul3A_240, %add3A_241 : i32
      %get3A_243 = arith.index_cast %add3A_242 : i32 to index
      %get3A_244 = arith.constant 16 : index
      %get3A_245 = tpu.vector_load %arg12[%get3A_243, %get3A_244] {strides = array<i32>} : memref<512x32xf32, #tpu.memory_space<vmem>>, vector<16xf32>,
      %mul3A_246 = arith.constant 4 : i32
      %mul3A_247 = arith.muli %scan3A_156, %mul3A_246 : i32
      %add3A_248 = arith.constant 2 : i32
      %add3A_249 = arith.addi %mul3A_247, %add3A_248 : i32
      %get3A_250 = arith.index_cast %add3A_249 : i32 to index
      %get3A_251 = arith.constant 16 : index
      %get3A_252 = tpu.vector_load %arg10[%get3A_250, %get3A_251] {strides = array<i32>} : memref<512x32xf32, #tpu.memory_space<vmem>>, vector<16xf32>,
      %sub3A_253 = arith.subf %get3A_245, %get3A_252 : vector<16xf32>
      %mul3A_254 = arith.mulf %sub3A_238, %sub3A_238 : vector<16xf32>
      %mul3A_255 = arith.mulf %sub3A_253, %sub3A_253 : vector<16xf32>
      %add3A_256 = arith.addf %mul3A_254, %mul3A_255 : vector<16xf32>
      %add3A_257 = arith.addf %add3A_223, %add3A_256 : vector<16xf32>
      %mul3A_258 = arith.constant 4 : i32
      %mul3A_259 = arith.muli %scan3A_156, %mul3A_258 : i32
      %add3A_260 = arith.constant 3 : i32
      %add3A_261 = arith.addi %mul3A_259, %add3A_260 : i32
      %get3A_262 = arith.index_cast %add3A_261 : i32 to index
      %get3A_263 = arith.constant 0 : index
      %get3A_264 = tpu.vector_load %arg12[%get3A_262, %get3A_263] {strides = array<i32>} : memref<512x32xf32, #tpu.memory_space<vmem>>, vector<16xf32>,
      %mul3A_265 = arith.constant 4 : i32
      %mul3A_266 = arith.muli %scan3A_156, %mul3A_265 : i32
      %add3A_267 = arith.constant 3 : i32
      %add3A_268 = arith.addi %mul3A_266, %add3A_267 : i32
      %get3A_269 = arith.index_cast %add3A_268 : i32 to index
      %get3A_270 = arith.constant 0 : index
      %get3A_271 = tpu.vector_load %arg10[%get3A_269, %get3A_270] {strides = array<i32>} : memref<512x32xf32, #tpu.memory_space<vmem>>, vector<16xf32>,
      %sub3A_272 = arith.subf %get3A_264, %get3A_271 : vector<16xf32>
      %mul3A_273 = arith.constant 4 : i32
      %mul3A_274 = arith.muli %scan3A_156, %mul3A_273 : i32
      %add3A_275 = arith.constant 3 : i32
      %add3A_276 = arith.addi %mul3A_274, %add3A_275 : i32
      %get3A_277 = arith.index_cast %add3A_276 : i32 to index
      %get3A_278 = arith.constant 16 : index
      %get3A_279 = tpu.vector_load %arg12[%get3A_277, %get3A_278] {strides = array<i32>} : memref<512x32xf32, #tpu.memory_space<vmem>>, vector<16xf32>,
      %mul3A_280 = arith.constant 4 : i32
      %mul3A_281 = arith.muli %scan3A_156, %mul3A_280 : i32
      %add3A_282 = arith.constant 3 : i32
      %add3A_283 = arith.addi %mul3A_281, %add3A_282 : i32
      %get3A_284 = arith.index_cast %add3A_283 : i32 to index
      %get3A_285 = arith.constant 16 : index
      %get3A_286 = tpu.vector_load %arg10[%get3A_284, %get3A_285] {strides = array<i32>} : memref<512x32xf32, #tpu.memory_space<vmem>>, vector<16xf32>,
      %sub3A_287 = arith.subf %get3A_279, %get3A_286 : vector<16xf32>
      %mul3A_288 = arith.mulf %sub3A_272, %sub3A_272 : vector<16xf32>
      %mul3A_289 = arith.mulf %sub3A_287, %sub3A_287 : vector<16xf32>
      %add3A_290 = arith.addf %mul3A_288, %mul3A_289 : vector<16xf32>
      %add3A_291 = arith.addf %add3A_257, %add3A_290 : vector<16xf32>
      scf.yield %add3A_291 : vector<16xf32>
    }
    %scan3A_135 = arith.constant 128 : i32
    %dma_wait3A_136 = arith.constant 1536 : i32
    %dma_wait3A_137 = tpu.memref_slice %arg9[%dma_wait3A_136] : memref<2048xi32, #tpu.memory_space<vmem>> -> memref<512xi32, #tpu.memory_space<vmem>>
    %dma_wait3A_138 = arith.constant 0 : i32
    %dma_wait3A_139 = arith.constant 0 : i32
    %dma_wait3A_140 = tpu.memref_slice %arg3[%dma_wait3A_138, %dma_wait3A_139] : memref<32768x32xf32, #tpu.memory_space<hbm>> -> memref<32768x32xf32, #tpu.memory_space<hbm>>
    tpu.wait_indirect_dma semaphore(%arg17 : memref<!tpu.dma_semaphore, #tpu.memory_space<semaphore_mem>>) src(%dma_wait3A_140 : memref<32768x32xf32, #tpu.memory_space<hbm>>) dst(%arg11 : memref<512x32xf32, #tpu.memory_space<vmem>>)
    %dma_wait3A_141 = arith.constant 0 : i32
    %dma_wait3A_142 = tpu.memref_slice %arg4[%add3A_123, %dma_wait3A_141] : memref<65536x32xf32, #tpu.memory_space<hbm>> -> memref<512x32xf32, #tpu.memory_space<hbm>>
    %dma_wait3A_143 = arith.constant 0 : i32
    %dma_wait3A_144 = tpu.memref_slice %arg4[%add3A_123, %dma_wait3A_143] : memref<65536x32xf32, #tpu.memory_space<hbm>> -> memref<512x32xf32, #tpu.memory_space<hbm>>
    tpu.wait_dma2 semaphore(%arg19 : memref<!tpu.dma_semaphore, #tpu.memory_space<semaphore_mem>>) src(%dma_wait3A_144 : memref<512x32xf32, #tpu.memory_space<hbm>>) dst(%arg13 : memref<512x32xf32, #tpu.memory_space<vmem>>)
    %add3A_145 = arith.constant 1536 : i32
    %add3A_146 = arith.addi %mul3A_2, %add3A_145 : i32
    "tpu.region"() ({
      %run_scoped3A = tpu.sem_alloc : memref<!tpu.dma_semaphore, #tpu.memory_space<semaphore_mem>>
      %dma_start3A_156 = arith.constant 0 : i32
      %dma_start3A_157 = tpu.memref_slice %arg5[%add3A_146, %dma_start3A_156] : memref<65536x32xf32, #tpu.memory_space<hbm>> -> memref<512x32xf32, #tpu.memory_space<hbm>>
      %dma_start3A_158 = arith.constant 0 : i32
      %dma_start3A_159 = tpu.memref_slice %arg5[%add3A_146, %dma_start3A_158] : memref<65536x32xf32, #tpu.memory_space<hbm>> -> memref<512x32xf32, #tpu.memory_space<hbm>>
      tpu.enqueue_dma source(%arg11 : memref<512x32xf32, #tpu.memory_space<vmem>>) target(%dma_start3A_159 : memref<512x32xf32, #tpu.memory_space<hbm>>) target_semaphore(%run_scoped3A : memref<!tpu.dma_semaphore, #tpu.memory_space<semaphore_mem>>)
      %dma_wait3A_160 = arith.constant 0 : i32
      %dma_wait3A_161 = tpu.memref_slice %arg5[%add3A_146, %dma_wait3A_160] : memref<65536x32xf32, #tpu.memory_space<hbm>> -> memref<512x32xf32, #tpu.memory_space<hbm>>
      %dma_wait3A_162 = arith.constant 0 : i32
      %dma_wait3A_163 = tpu.memref_slice %arg5[%add3A_146, %dma_wait3A_162] : memref<65536x32xf32, #tpu.memory_space<hbm>> -> memref<512x32xf32, #tpu.memory_space<hbm>>
      tpu.wait_dma2 semaphore(%run_scoped3A : memref<!tpu.dma_semaphore, #tpu.memory_space<semaphore_mem>>) src(%arg11 : memref<512x32xf32, #tpu.memory_space<vmem>>) dst(%dma_wait3A_163 : memref<512x32xf32, #tpu.memory_space<hbm>>)
      tpu.yield
    }) : () -> ()
    %scan3A_147 = arith.constant 0 : i32
    %scan3A_148 = arith.constant 128 : i32
    %scan3A_149 = arith.addi %scan3A_147, %scan3A_148 : i32
    %scan3A_150 = arith.constant 1 : i32
    %scan3A_151 = scf.for %scan3A_156 = %scan3A_147 to %scan3A_149 step %scan3A_150 iter_args(%scan3A_157 = %scan3A_134) -> (vector<16xf32>)  : i32 {
      %mul3A_158 = arith.constant 4 : i32
      %mul3A_159 = arith.muli %scan3A_156, %mul3A_158 : i32
      %add3A_160 = arith.constant 0 : i32
      %add3A_161 = arith.addi %mul3A_159, %add3A_160 : i32
      %get3A = arith.index_cast %add3A_161 : i32 to index
      %get3A_162 = arith.constant 0 : index
      %get3A_163 = tpu.vector_load %arg13[%get3A, %get3A_162] {strides = array<i32>} : memref<512x32xf32, #tpu.memory_space<vmem>>, vector<16xf32>,
      %mul3A_164 = arith.constant 4 : i32
      %mul3A_165 = arith.muli %scan3A_156, %mul3A_164 : i32
      %add3A_166 = arith.constant 0 : i32
      %add3A_167 = arith.addi %mul3A_165, %add3A_166 : i32
      %get3A_168 = arith.index_cast %add3A_167 : i32 to index
      %get3A_169 = arith.constant 0 : index
      %get3A_170 = tpu.vector_load %arg11[%get3A_168, %get3A_169] {strides = array<i32>} : memref<512x32xf32, #tpu.memory_space<vmem>>, vector<16xf32>,
      %sub3A = arith.subf %get3A_163, %get3A_170 : vector<16xf32>
      %mul3A_171 = arith.constant 4 : i32
      %mul3A_172 = arith.muli %scan3A_156, %mul3A_171 : i32
      %add3A_173 = arith.constant 0 : i32
      %add3A_174 = arith.addi %mul3A_172, %add3A_173 : i32
      %get3A_175 = arith.index_cast %add3A_174 : i32 to index
      %get3A_176 = arith.constant 16 : index
      %get3A_177 = tpu.vector_load %arg13[%get3A_175, %get3A_176] {strides = array<i32>} : memref<512x32xf32, #tpu.memory_space<vmem>>, vector<16xf32>,
      %mul3A_178 = arith.constant 4 : i32
      %mul3A_179 = arith.muli %scan3A_156, %mul3A_178 : i32
      %add3A_180 = arith.constant 0 : i32
      %add3A_181 = arith.addi %mul3A_179, %add3A_180 : i32
      %get3A_182 = arith.index_cast %add3A_181 : i32 to index
      %get3A_183 = arith.constant 16 : index
      %get3A_184 = tpu.vector_load %arg11[%get3A_182, %get3A_183] {strides = array<i32>} : memref<512x32xf32, #tpu.memory_space<vmem>>, vector<16xf32>,
      %sub3A_185 = arith.subf %get3A_177, %get3A_184 : vector<16xf32>
      %mul3A_186 = arith.mulf %sub3A, %sub3A : vector<16xf32>
      %mul3A_187 = arith.mulf %sub3A_185, %sub3A_185 : vector<16xf32>
      %add3A_188 = arith.addf %mul3A_186, %mul3A_187 : vector<16xf32>
      %add3A_189 = arith.addf %scan3A_157, %add3A_188 : vector<16xf32>
      %mul3A_190 = arith.constant 4 : i32
      %mul3A_191 = arith.muli %scan3A_156, %mul3A_190 : i32
      %add3A_192 = arith.constant 1 : i32
      %add3A_193 = arith.addi %mul3A_191, %add3A_192 : i32
      %get3A_194 = arith.index_cast %add3A_193 : i32 to index
      %get3A_195 = arith.constant 0 : index
      %get3A_196 = tpu.vector_load %arg13[%get3A_194, %get3A_195] {strides = array<i32>} : memref<512x32xf32, #tpu.memory_space<vmem>>, vector<16xf32>,
      %mul3A_197 = arith.constant 4 : i32
      %mul3A_198 = arith.muli %scan3A_156, %mul3A_197 : i32
      %add3A_199 = arith.constant 1 : i32
      %add3A_200 = arith.addi %mul3A_198, %add3A_199 : i32
      %get3A_201 = arith.index_cast %add3A_200 : i32 to index
      %get3A_202 = arith.constant 0 : index
      %get3A_203 = tpu.vector_load %arg11[%get3A_201, %get3A_202] {strides = array<i32>} : memref<512x32xf32, #tpu.memory_space<vmem>>, vector<16xf32>,
      %sub3A_204 = arith.subf %get3A_196, %get3A_203 : vector<16xf32>
      %mul3A_205 = arith.constant 4 : i32
      %mul3A_206 = arith.muli %scan3A_156, %mul3A_205 : i32
      %add3A_207 = arith.constant 1 : i32
      %add3A_208 = arith.addi %mul3A_206, %add3A_207 : i32
      %get3A_209 = arith.index_cast %add3A_208 : i32 to index
      %get3A_210 = arith.constant 16 : index
      %get3A_211 = tpu.vector_load %arg13[%get3A_209, %get3A_210] {strides = array<i32>} : memref<512x32xf32, #tpu.memory_space<vmem>>, vector<16xf32>,
      %mul3A_212 = arith.constant 4 : i32
      %mul3A_213 = arith.muli %scan3A_156, %mul3A_212 : i32
      %add3A_214 = arith.constant 1 : i32
      %add3A_215 = arith.addi %mul3A_213, %add3A_214 : i32
      %get3A_216 = arith.index_cast %add3A_215 : i32 to index
      %get3A_217 = arith.constant 16 : index
      %get3A_218 = tpu.vector_load %arg11[%get3A_216, %get3A_217] {strides = array<i32>} : memref<512x32xf32, #tpu.memory_space<vmem>>, vector<16xf32>,
      %sub3A_219 = arith.subf %get3A_211, %get3A_218 : vector<16xf32>
      %mul3A_220 = arith.mulf %sub3A_204, %sub3A_204 : vector<16xf32>
      %mul3A_221 = arith.mulf %sub3A_219, %sub3A_219 : vector<16xf32>
      %add3A_222 = arith.addf %mul3A_220, %mul3A_221 : vector<16xf32>
      %add3A_223 = arith.addf %add3A_189, %add3A_222 : vector<16xf32>
      %mul3A_224 = arith.constant 4 : i32
      %mul3A_225 = arith.muli %scan3A_156, %mul3A_224 : i32
      %add3A_226 = arith.constant 2 : i32
      %add3A_227 = arith.addi %mul3A_225, %add3A_226 : i32
      %get3A_228 = arith.index_cast %add3A_227 : i32 to index
      %get3A_229 = arith.constant 0 : index
      %get3A_230 = tpu.vector_load %arg13[%get3A_228, %get3A_229] {strides = array<i32>} : memref<512x32xf32, #tpu.memory_space<vmem>>, vector<16xf32>,
      %mul3A_231 = arith.constant 4 : i32
      %mul3A_232 = arith.muli %scan3A_156, %mul3A_231 : i32
      %add3A_233 = arith.constant 2 : i32
      %add3A_234 = arith.addi %mul3A_232, %add3A_233 : i32
      %get3A_235 = arith.index_cast %add3A_234 : i32 to index
      %get3A_236 = arith.constant 0 : index
      %get3A_237 = tpu.vector_load %arg11[%get3A_235, %get3A_236] {strides = array<i32>} : memref<512x32xf32, #tpu.memory_space<vmem>>, vector<16xf32>,
      %sub3A_238 = arith.subf %get3A_230, %get3A_237 : vector<16xf32>
      %mul3A_239 = arith.constant 4 : i32
      %mul3A_240 = arith.muli %scan3A_156, %mul3A_239 : i32
      %add3A_241 = arith.constant 2 : i32
      %add3A_242 = arith.addi %mul3A_240, %add3A_241 : i32
      %get3A_243 = arith.index_cast %add3A_242 : i32 to index
      %get3A_244 = arith.constant 16 : index
      %get3A_245 = tpu.vector_load %arg13[%get3A_243, %get3A_244] {strides = array<i32>} : memref<512x32xf32, #tpu.memory_space<vmem>>, vector<16xf32>,
      %mul3A_246 = arith.constant 4 : i32
      %mul3A_247 = arith.muli %scan3A_156, %mul3A_246 : i32
      %add3A_248 = arith.constant 2 : i32
      %add3A_249 = arith.addi %mul3A_247, %add3A_248 : i32
      %get3A_250 = arith.index_cast %add3A_249 : i32 to index
      %get3A_251 = arith.constant 16 : index
      %get3A_252 = tpu.vector_load %arg11[%get3A_250, %get3A_251] {strides = array<i32>} : memref<512x32xf32, #tpu.memory_space<vmem>>, vector<16xf32>,
      %sub3A_253 = arith.subf %get3A_245, %get3A_252 : vector<16xf32>
      %mul3A_254 = arith.mulf %sub3A_238, %sub3A_238 : vector<16xf32>
      %mul3A_255 = arith.mulf %sub3A_253, %sub3A_253 : vector<16xf32>
      %add3A_256 = arith.addf %mul3A_254, %mul3A_255 : vector<16xf32>
      %add3A_257 = arith.addf %add3A_223, %add3A_256 : vector<16xf32>
      %mul3A_258 = arith.constant 4 : i32
      %mul3A_259 = arith.muli %scan3A_156, %mul3A_258 : i32
      %add3A_260 = arith.constant 3 : i32
      %add3A_261 = arith.addi %mul3A_259, %add3A_260 : i32
      %get3A_262 = arith.index_cast %add3A_261 : i32 to index
      %get3A_263 = arith.constant 0 : index
      %get3A_264 = tpu.vector_load %arg13[%get3A_262, %get3A_263] {strides = array<i32>} : memref<512x32xf32, #tpu.memory_space<vmem>>, vector<16xf32>,
      %mul3A_265 = arith.constant 4 : i32
      %mul3A_266 = arith.muli %scan3A_156, %mul3A_265 : i32
      %add3A_267 = arith.constant 3 : i32
      %add3A_268 = arith.addi %mul3A_266, %add3A_267 : i32
      %get3A_269 = arith.index_cast %add3A_268 : i32 to index
      %get3A_270 = arith.constant 0 : index
      %get3A_271 = tpu.vector_load %arg11[%get3A_269, %get3A_270] {strides = array<i32>} : memref<512x32xf32, #tpu.memory_space<vmem>>, vector<16xf32>,
      %sub3A_272 = arith.subf %get3A_264, %get3A_271 : vector<16xf32>
      %mul3A_273 = arith.constant 4 : i32
      %mul3A_274 = arith.muli %scan3A_156, %mul3A_273 : i32
      %add3A_275 = arith.constant 3 : i32
      %add3A_276 = arith.addi %mul3A_274, %add3A_275 : i32
      %get3A_277 = arith.index_cast %add3A_276 : i32 to index
      %get3A_278 = arith.constant 16 : index
      %get3A_279 = tpu.vector_load %arg13[%get3A_277, %get3A_278] {strides = array<i32>} : memref<512x32xf32, #tpu.memory_space<vmem>>, vector<16xf32>,
      %mul3A_280 = arith.constant 4 : i32
      %mul3A_281 = arith.muli %scan3A_156, %mul3A_280 : i32
      %add3A_282 = arith.constant 3 : i32
      %add3A_283 = arith.addi %mul3A_281, %add3A_282 : i32
      %get3A_284 = arith.index_cast %add3A_283 : i32 to index
      %get3A_285 = arith.constant 16 : index
      %get3A_286 = tpu.vector_load %arg11[%get3A_284, %get3A_285] {strides = array<i32>} : memref<512x32xf32, #tpu.memory_space<vmem>>, vector<16xf32>,
      %sub3A_287 = arith.subf %get3A_279, %get3A_286 : vector<16xf32>
      %mul3A_288 = arith.mulf %sub3A_272, %sub3A_272 : vector<16xf32>
      %mul3A_289 = arith.mulf %sub3A_287, %sub3A_287 : vector<16xf32>
      %add3A_290 = arith.addf %mul3A_288, %mul3A_289 : vector<16xf32>
      %add3A_291 = arith.addf %add3A_257, %add3A_290 : vector<16xf32>
      scf.yield %add3A_291 : vector<16xf32>
    }
    %scan3A_152 = arith.constant 128 : i32
    %swap3A = arith.constant 0 : index
    %swap3A_153 = tpu.vector_load %arg15[%swap3A] {strides = array<i32>} : memref<16xf32, #tpu.memory_space<vmem>>, vector<16xf32>,
    tpu.vector_store %arg15[%swap3A], %scan3A_151 {strides = array<i32>} : memref<16xf32, #tpu.memory_space<vmem>>, vector<16xf32>,
    %mul3A_154 = arith.constant 16 : i32
    %mul3A_155 = arith.muli %add3A, %mul3A_154 : i32
    "tpu.region"() ({
      %run_scoped3A = tpu.sem_alloc : memref<!tpu.dma_semaphore, #tpu.memory_space<semaphore_mem>>
      %dma_start3A_156 = tpu.memref_slice %arg7[%mul3A_155] : memref<512xf32, #tpu.memory_space<hbm>> -> memref<16xf32, #tpu.memory_space<hbm>>
      %dma_start3A_157 = tpu.memref_slice %arg7[%mul3A_155] : memref<512xf32, #tpu.memory_space<hbm>> -> memref<16xf32, #tpu.memory_space<hbm>>
      tpu.enqueue_dma source(%arg15 : memref<16xf32, #tpu.memory_space<vmem>>) target(%dma_start3A_157 : memref<16xf32, #tpu.memory_space<hbm>>) target_semaphore(%run_scoped3A : memref<!tpu.dma_semaphore, #tpu.memory_space<semaphore_mem>>)
      %dma_wait3A_158 = tpu.memref_slice %arg7[%mul3A_155] : memref<512xf32, #tpu.memory_space<hbm>> -> memref<16xf32, #tpu.memory_space<hbm>>
      %dma_wait3A_159 = tpu.memref_slice %arg7[%mul3A_155] : memref<512xf32, #tpu.memory_space<hbm>> -> memref<16xf32, #tpu.memory_space<hbm>>
      tpu.wait_dma2 semaphore(%run_scoped3A : memref<!tpu.dma_semaphore, #tpu.memory_space<semaphore_mem>>) src(%arg15 : memref<16xf32, #tpu.memory_space<vmem>>) dst(%dma_wait3A_159 : memref<16xf32, #tpu.memory_space<hbm>>)
      tpu.yield
    }) : () -> ()
    return
  }
}

module attributes {stable_mosaic.version = 14 : i64} {
  func.func @_argmin_body(%arg0: i32, %arg1: memref<512x128xf32, #tpu.memory_space<vmem>>, %arg2: memref<128x8192xf32, #tpu.memory_space<vmem>>, %arg3: memref<32x8192xf32, #tpu.memory_space<vmem>>, %arg4: memref<512x4xi32, #tpu.memory_space<vmem>>) attributes {dimension_semantics = [#tpu.dimension_semantics<arbitrary>], iteration_bounds = array<i64: 32>, scalar_prefetch = 0 : i64, scratch_operands = 0 : i64, tpu.core_type = #tpu.core_type<tc>, window_params = [{transform_indices = @transform_0, window_bounds = array<i64: 512, 128>}, {pipeline_mode = #tpu.pipeline_mode<synchronous>, transform_indices = @transform_1, window_bounds = array<i64: 128, 8192>}, {pipeline_mode = #tpu.pipeline_mode<synchronous>, transform_indices = @transform_2, window_bounds = array<i64: 32, 8192>}, {transform_indices = @transform_3, window_bounds = array<i64: 512, 4>}]} {
    %get3A = arith.constant 0 : index
    %get3A_0 = arith.constant 0 : index
    %get3A_1 = vector.load %arg1[%get3A, %get3A_0] : memref<512x128xf32, #tpu.memory_space<vmem>>, vector<512x128xf32>
    %slice3A = vector.extract_strided_slice %get3A_1 {offsets = [0, 0], sizes = [512, 32], strides = [1, 1]} : vector<512x128xf32> to vector<512x32xf32>
    %get3A_2 = arith.constant 0 : index
    %get3A_3 = arith.constant 0 : index
    %get3A_4 = vector.load %arg2[%get3A_2, %get3A_3] : memref<128x8192xf32, #tpu.memory_space<vmem>>, vector<32x8192xf32>
    %dot_general3A = arith.constant dense<0.000000e+00> : vector<512x8192xf32>
    %dot_general3A_5 = tpu.matmul %slice3A, %get3A_4, %dot_general3A {dimension_numbers = #tpu.dot_dimension_numbers<[1], [0], [0], [1], [0, 0, 1, 1], [], []>, transpose_lhs_hint = false} : vector<512x32xf32>, vector<32x8192xf32>, vector<512x8192xf32> -> vector<512x8192xf32>
    %get3A_6 = arith.constant 0 : index
    %get3A_7 = arith.constant 0 : index
    %get3A_8 = vector.load %arg3[%get3A_6, %get3A_7] : memref<32x8192xf32, #tpu.memory_space<vmem>>, vector<1x8192xf32>
    %add3A = vector.broadcast %get3A_8 : vector<1x8192xf32> to vector<512x8192xf32>
    %add3A_9 = arith.addf %dot_general3A_5, %add3A : vector<512x8192xf32>
    %argmin3A = tpu.reduce_index %add3A_9 {axis = 1 : i32, kind = #tpu.reduction_kind<arg_min>} : vector<512x8192xf32> -> vector<512xi32>
    %reshape3A = vector.shape_cast %argmin3A : vector<512xi32> to vector<512x1xi32>
    %slice3A_10 = vector.extract_strided_slice %get3A_1 {offsets = [0, 32], sizes = [512, 32], strides = [1, 1]} : vector<512x128xf32> to vector<512x32xf32>
    %get3A_11 = arith.constant 32 : index
    %get3A_12 = arith.constant 0 : index
    %get3A_13 = vector.load %arg2[%get3A_11, %get3A_12] : memref<128x8192xf32, #tpu.memory_space<vmem>>, vector<32x8192xf32>
    %dot_general3A_14 = arith.constant dense<0.000000e+00> : vector<512x8192xf32>
    %dot_general3A_15 = tpu.matmul %slice3A_10, %get3A_13, %dot_general3A_14 {dimension_numbers = #tpu.dot_dimension_numbers<[1], [0], [0], [1], [0, 0, 1, 1], [], []>, transpose_lhs_hint = false} : vector<512x32xf32>, vector<32x8192xf32>, vector<512x8192xf32> -> vector<512x8192xf32>
    %get3A_16 = arith.constant 8 : index
    %get3A_17 = arith.constant 0 : index
    %get3A_18 = vector.load %arg3[%get3A_16, %get3A_17] : memref<32x8192xf32, #tpu.memory_space<vmem>>, vector<1x8192xf32>
    %add3A_19 = vector.broadcast %get3A_18 : vector<1x8192xf32> to vector<512x8192xf32>
    %add3A_20 = arith.addf %dot_general3A_15, %add3A_19 : vector<512x8192xf32>
    %argmin3A_21 = tpu.reduce_index %add3A_20 {axis = 1 : i32, kind = #tpu.reduction_kind<arg_min>} : vector<512x8192xf32> -> vector<512xi32>
    %reshape3A_22 = vector.shape_cast %argmin3A_21 : vector<512xi32> to vector<512x1xi32>
    %slice3A_23 = vector.extract_strided_slice %get3A_1 {offsets = [0, 64], sizes = [512, 32], strides = [1, 1]} : vector<512x128xf32> to vector<512x32xf32>
    %get3A_24 = arith.constant 64 : index
    %get3A_25 = arith.constant 0 : index
    %get3A_26 = vector.load %arg2[%get3A_24, %get3A_25] : memref<128x8192xf32, #tpu.memory_space<vmem>>, vector<32x8192xf32>
    %dot_general3A_27 = arith.constant dense<0.000000e+00> : vector<512x8192xf32>
    %dot_general3A_28 = tpu.matmul %slice3A_23, %get3A_26, %dot_general3A_27 {dimension_numbers = #tpu.dot_dimension_numbers<[1], [0], [0], [1], [0, 0, 1, 1], [], []>, transpose_lhs_hint = false} : vector<512x32xf32>, vector<32x8192xf32>, vector<512x8192xf32> -> vector<512x8192xf32>
    %get3A_29 = arith.constant 16 : index
    %get3A_30 = arith.constant 0 : index
    %get3A_31 = vector.load %arg3[%get3A_29, %get3A_30] : memref<32x8192xf32, #tpu.memory_space<vmem>>, vector<1x8192xf32>
    %add3A_32 = vector.broadcast %get3A_31 : vector<1x8192xf32> to vector<512x8192xf32>
    %add3A_33 = arith.addf %dot_general3A_28, %add3A_32 : vector<512x8192xf32>
    %argmin3A_34 = tpu.reduce_index %add3A_33 {axis = 1 : i32, kind = #tpu.reduction_kind<arg_min>} : vector<512x8192xf32> -> vector<512xi32>
    %reshape3A_35 = vector.shape_cast %argmin3A_34 : vector<512xi32> to vector<512x1xi32>
    %slice3A_36 = vector.extract_strided_slice %get3A_1 {offsets = [0, 96], sizes = [512, 32], strides = [1, 1]} : vector<512x128xf32> to vector<512x32xf32>
    %get3A_37 = arith.constant 96 : index
    %get3A_38 = arith.constant 0 : index
    %get3A_39 = vector.load %arg2[%get3A_37, %get3A_38] : memref<128x8192xf32, #tpu.memory_space<vmem>>, vector<32x8192xf32>
    %dot_general3A_40 = arith.constant dense<0.000000e+00> : vector<512x8192xf32>
    %dot_general3A_41 = tpu.matmul %slice3A_36, %get3A_39, %dot_general3A_40 {dimension_numbers = #tpu.dot_dimension_numbers<[1], [0], [0], [1], [0, 0, 1, 1], [], []>, transpose_lhs_hint = false} : vector<512x32xf32>, vector<32x8192xf32>, vector<512x8192xf32> -> vector<512x8192xf32>
    %get3A_42 = arith.constant 24 : index
    %get3A_43 = arith.constant 0 : index
    %get3A_44 = vector.load %arg3[%get3A_42, %get3A_43] : memref<32x8192xf32, #tpu.memory_space<vmem>>, vector<1x8192xf32>
    %add3A_45 = vector.broadcast %get3A_44 : vector<1x8192xf32> to vector<512x8192xf32>
    %add3A_46 = arith.addf %dot_general3A_41, %add3A_45 : vector<512x8192xf32>
    %argmin3A_47 = tpu.reduce_index %add3A_46 {axis = 1 : i32, kind = #tpu.reduction_kind<arg_min>} : vector<512x8192xf32> -> vector<512xi32>
    %reshape3A_48 = vector.shape_cast %argmin3A_47 : vector<512xi32> to vector<512x1xi32>
    %concatenate3A = tpu.concatenate %reshape3A, %reshape3A_22, %reshape3A_35, %reshape3A_48 in 1 : vector<512x1xi32>, vector<512x1xi32>, vector<512x1xi32>, vector<512x1xi32> -> vector<512x4xi32>
    %swap3A = arith.constant 0 : index
    %swap3A_49 = arith.constant 0 : index
    %swap3A_50 = vector.load %arg4[%swap3A, %swap3A_49] : memref<512x4xi32, #tpu.memory_space<vmem>>, vector<512x4xi32>
    tpu.vector_store %arg4[%swap3A, %swap3A_49], %concatenate3A {strides = array<i32>} : memref<512x4xi32, #tpu.memory_space<vmem>>, vector<512x4xi32>,
    return
  }
  func.func @transform_0(%arg0: i32) -> (i32, i32) {
    %c0_i32 = arith.constant 0 : i32
    %c0_i32_0 = arith.constant 0 : i32
    return %arg0, %c0_i32 : i32, i32
  }
  func.func @transform_1(%arg0: i32) -> (i32, i32) {
    %c0_i32 = arith.constant 0 : i32
    %c0_i32_0 = arith.constant 0 : i32
    %c0_i32_1 = arith.constant 0 : i32
    return %c0_i32, %c0_i32_0 : i32, i32
  }
  func.func @transform_2(%arg0: i32) -> (i32, i32) {
    %c0_i32 = arith.constant 0 : i32
    %c0_i32_0 = arith.constant 0 : i32
    %c0_i32_1 = arith.constant 0 : i32
    return %c0_i32, %c0_i32_0 : i32, i32
  }
  func.func @transform_3(%arg0: i32) -> (i32, i32) {
    %c0_i32 = arith.constant 0 : i32
    %c0_i32_0 = arith.constant 0 : i32
    return %arg0, %c0_i32 : i32, i32
  }
}

module attributes {stable_mosaic.version = 14 : i64} {
  func.func @_finalize_body(%arg0: memref<32x32768xi32, #tpu.memory_space<vmem>>, %arg1: memref<32x16xf32, #tpu.memory_space<vmem>>, %arg2: memref<1x1xf32, #tpu.memory_space<vmem>>, %arg3: memref<1x1xf32, #tpu.memory_space<vmem>>) attributes {dimension_semantics = [], scalar_prefetch = 0 : i64, scratch_operands = 0 : i64, tpu.core_type = #tpu.core_type<tc>} {
    %get3A = arith.constant 0 : index
    %get3A_0 = arith.constant 0 : index
    %get3A_1 = vector.load %arg0[%get3A, %get3A_0] : memref<32x32768xi32, #tpu.memory_space<vmem>>, vector<32x32768xi32>
    %reduce_sum3A = arith.constant dense<0> : vector<32768xi32>
    %reduce_sum3A_2 = vector.multi_reduction <add>, %get3A_1, %reduce_sum3A [0] : vector<32x32768xi32> to vector<32768xi32>
    %broadcast_in_dim3A = vector.shape_cast %reduce_sum3A_2 : vector<32768xi32> to vector<1x32768xi32>
    %convert_element_type3A = arith.sitofp %broadcast_in_dim3A : vector<1x32768xi32> to vector<1x32768xf32>
    %div3A = arith.constant 1.638400e+04 : f32
    %div3A_3 = vector.broadcast %div3A : f32 to vector<1x32768xf32>
    %div3A_4 = arith.divf %convert_element_type3A, %div3A_3 : vector<1x32768xf32>
    %add3A = arith.constant 1.000000e-10 : f32
    %add3A_5 = vector.broadcast %add3A : f32 to vector<1x32768xf32>
    %add3A_6 = arith.addf %div3A_4, %add3A_5 : vector<1x32768xf32>
    %log3A = math.log %add3A_6 : vector<1x32768xf32>
    %mul3A = arith.mulf %div3A_4, %log3A : vector<1x32768xf32>
    %reduce_sum3A_7 = vector.shape_cast %mul3A : vector<1x32768xf32> to vector<1x1x32768xf32>
    %reduce_sum3A_8 = arith.constant dense<0.000000e+00> : vector<1xf32>
    %reduce_sum3A_9 = vector.multi_reduction <add>, %reduce_sum3A_7, %reduce_sum3A_8 [1, 2] : vector<1x1x32768xf32> to vector<1xf32>
    %reduce_sum3A_10 = vector.shape_cast %reduce_sum3A_9 : vector<1xf32> to vector<1x1x1xf32>
    %reduce_sum3A_11 = vector.extract %reduce_sum3A_10[0, 0, 0] : f32 from vector<1x1x1xf32>
    %neg3A = arith.constant 0.000000e+00 : f32
    %neg3A_12 = arith.subf %neg3A, %reduce_sum3A_11 : f32
    %div3A_13 = arith.constant 4.000000e+00 : f32
    %div3A_14 = arith.divf %neg3A_12, %div3A_13 : f32
    %reshape3A = vector.broadcast %div3A_14 : f32 to vector<1x1xf32>
    %swap3A = arith.constant 0 : index
    %swap3A_15 = arith.constant 0 : index
    %swap3A_16 = vector.load %arg3[%swap3A, %swap3A_15] : memref<1x1xf32, #tpu.memory_space<vmem>>, vector<1x1xf32>
    tpu.vector_store %arg3[%swap3A, %swap3A_15], %reshape3A {strides = array<i32>} : memref<1x1xf32, #tpu.memory_space<vmem>>, vector<1x1xf32>,
    %get3A_17 = arith.constant 0 : index
    %get3A_18 = arith.constant 0 : index
    %get3A_19 = vector.load %arg1[%get3A_17, %get3A_18] : memref<32x16xf32, #tpu.memory_space<vmem>>, vector<32x16xf32>
    %reduce_sum3A_20 = vector.shape_cast %get3A_19 : vector<32x16xf32> to vector<1x32x16xf32>
    %reduce_sum3A_21 = arith.constant dense<0.000000e+00> : vector<1xf32>
    %reduce_sum3A_22 = vector.multi_reduction <add>, %reduce_sum3A_20, %reduce_sum3A_21 [1, 2] : vector<1x32x16xf32> to vector<1xf32>
    %reduce_sum3A_23 = vector.shape_cast %reduce_sum3A_22 : vector<1xf32> to vector<1x1x1xf32>
    %reduce_sum3A_24 = vector.extract %reduce_sum3A_23[0, 0, 0] : f32 from vector<1x1x1xf32>
    %mul3A_25 = arith.constant 2.500000e-01 : f32
    %mul3A_26 = arith.mulf %mul3A_25, %reduce_sum3A_24 : f32
    %div3A_27 = arith.constant 5.242880e+05 : f32
    %div3A_28 = arith.divf %mul3A_26, %div3A_27 : f32
    %div3A_29 = arith.constant 4.000000e+00 : f32
    %div3A_30 = arith.divf %div3A_28, %div3A_29 : f32
    %reshape3A_31 = vector.broadcast %div3A_30 : f32 to vector<1x1xf32>
    %swap3A_32 = arith.constant 0 : index
    %swap3A_33 = arith.constant 0 : index
    %swap3A_34 = vector.load %arg2[%swap3A_32, %swap3A_33] : memref<1x1xf32, #tpu.memory_space<vmem>>, vector<1x1xf32>
    tpu.vector_store %arg2[%swap3A_32, %swap3A_33], %reshape3A_31 {strides = array<i32>} : memref<1x1xf32, #tpu.memory_space<vmem>>, vector<1x1xf32>,
    return
  }
}

</mosaic_0001>

<sc_bundles>
// kernel: kernel.5.cloned.1.call-start
scs
__scs_entry_jumppad:
0x0: {  	(pc) =	sbr.rel $0x88, $3  }
0x1: {  	(tag) =	ssettag $0x0;
	lr =	simm.s32 $0x1  }
0x2: {  	[smem:$0x3F9F] =	sst lr;
	_ =	strace $0xD0000000  }
0x3: {  	_ = 	snop  }
0x4: {  	_ = 	snop  }
0x5: {  	_ = 	snop  }
0x6: {  	_ = 	snop  }
0x7: {  	_ = 	snop  }
__scs_overlays_trampoline_lowered:
0x8: {  	[smem:$0x3FAE] =	sst s0  }
0x9: {  	[smem:$0x3FAF] =	sst s1  }
0xa: {  	[smem:$0x3FB0] =	sst s2  }
0xb: {  	[smem:$0x3FB1] =	sst s3  }
0xc: {  	[smem:$0x3FB2] =	sst s4  }
0xd: {  	[smem:$0x3FB3] =	sst s5  }
0xe: {  	[smem:$0x3FB4] =	sst s6  }
0xf: {  	[smem:$0x3FB5] =	sst s7  }
0x10: {  	[smem:$0x3FB6] =	sst s8  }
0x11: {  	[smem:$0x3FB7] =	sst s9;
	s0 =	simm.s32 @!p0 $0x0  }
0x12: {  	s1 =	sld [smem:$0x3F9D];
	s0 =	simm.s32 @p0 $0x1  }
0x13: {  	[smem:$0x3FB8] =	sst s0;
	s0 =	simm.s32 @!p1 $0x0  }
0x14: {  	s2 =	sld [smem:$0x3F9C];
	s0 =	simm.s32 @p1 $0x1  }
0x15: {  	[smem:$0x3FB9] =	sst s0;
	s0 =	simm.s32 @!p2 $0x0  }
0x16: {  	s3 =	sld [smem:$0x3FDB];
	s0 =	simm.s32 @p2 $0x1  }
0x17: {  	s4 =	simm.s32 $0x1BF5;
	[smem:$0x3FBB] =	sst s0  }
0x18: {  	s0 =	sld [smem:$0x3F9E];
	_ =	swait.ge [sflag:s4], $0x0  }
0x19: {  	s7 =	sld [smem:$0x3F9F]  }
0x1a: {  	s8 =	sadd.s32 $0xFFFFE003, lr  }
0x1b: {  	s9 =	sadd.s32 $0xFFFFFEF7, lr;
	s5 =	simm.s32 $0xFFFFFFFF;
	p2 =	slt.u32 s8, $0xFFFFF086  }
0x1c: {  	p1 =	slt.u32 s9, $0xF7A;
	s5 =	simm.s32 @!p2 $0x0  }
0x1d: {  	s5 =	simm.s32 @p1 $0x1;
	p0 =	seq.s32 s7, s2  }
0x1e: {  	s7 =	smul.u32 @!p0 $0xF7A, s2;
	p2 =	seq.s32 @!p0 s5, $0x0  }
0x1f: {  	s9 =	smul.u32 $0xF7A, s1;
	s8 =	simm.s32 @!p0 $0x1BF5;
	p2 =	por !p2, p0  }
0x20: {  	[sflag:s8] =	ssyncset.s32 @!p0 $0xFFFFF086;
	s6 =	sadd.s32 @!p0 s3, s7;
	s7 =	simm.s32 @!p0 $0x108  }
0x21: {  	s3 =	sadd.s32 s3, s9;
	s6 =	sadd.s32 @!p0 $0x88, s6;
	s7 =	simm.s32 @p2 $0x1082  }
0x22: {  	[simem:s7], [sflag:s8] =	dma.local @!p0 [hbm:s6], $0xF7A  }
0x23: {  	s9 =	sor.u32 $0xD0000000, s2;
	s6 =	simm.s32 $0x108;
	_ =	swait.ge @!p0 [sflag:s8], $0x0  }
0x24: {  	s3 =	sadd.s32 $0x88, s3;
	s6 =	simm.s32 @!p1 $0x1082;
	[sflag:s4] =	ssyncset.s32 $0xFFFFF086  }
0x25: {  	[simem:s6], [sflag:s4] =	dma.local [hbm:s3], $0xF7A  }
0x26: {  	[smem:$0x3F9F] =	sst s1;
	(tag) =	ssettag s2;
	_ =	strace s9  }
0x27: {  	s1 =	sld [smem:$0x3FAF]  }
0x28: {  	s2 =	sld [smem:$0x3FB0]  }
0x29: {  	s4 =	sld [smem:$0x3FB2]  }
0x2a: {  	p0 =	seq.s32 s5, $0x0;
	s5 =	sld [smem:$0x3FB3]  }
0x2b: {  	s6 =	sld [smem:$0x3FB4]  }
0x2c: {  	s7 =	sld [smem:$0x3FB5]  }
0x2d: {  	s3 =	simm.s32 $0x108;
	s8 =	sld [smem:$0x3FB6]  }
0x2e: {  	s3 =	simm.s32 @!p0 $0x1082;
	s9 =	sld [smem:$0x3FB7]  }
0x2f: {  	lr =	sadd.s32 s0, s3;
	s0 =	sld [smem:$0x3FAE]  }
0x30: {  	s3 =	sld [smem:$0x3FB1]  }
0x31: {  	[smem:$0x3FBA] =	sst s10  }
0x32: {  	s10 =	sld [smem:$0x3FB8];
	_ =	sdelay $0x3  }
0x33: {  	p0 =	seq.s32 s10, $0x1;
	s10 =	sld [smem:$0x3FBA];
	_ =	sdelay $0x3  }
0x34: {  	[smem:$0x3FBA] =	sst s10  }
0x35: {  	s10 =	sld [smem:$0x3FB9];
	_ =	sdelay $0x3  }
0x36: {  	p1 =	seq.s32 s10, $0x1;
	s10 =	sld [smem:$0x3FBA];
	_ =	sdelay $0x3  }
0x37: {  	[smem:$0x3FBA] =	sst s10  }
0x38: {  	s10 =	sld [smem:$0x3FBB]  }
0x39: {  	_ = 	snop;
	(pc) =	sbr.ind lr, $3  }
0x3a: {  	_ = 	snop  }
0x3b: {  	_ = 	snop  }
0x3c: {  	p2 =	seq.s32 s10, $0x1;
	s10 =	sld [smem:$0x3FBA]  }
0x3d: {  	_ =	shalt  }
0x3e: {  	_ =	shalt  }
0x3f: {  	_ =	shalt  }
0x40: {  	_ =	shalt  }
0x41: {  	_ =	shalt  }
0x42: {  	_ =	shalt  }
0x43: {  	_ =	shalt  }
0x44: {  	_ =	shalt  }
0x45: {  	_ =	shalt  }
0x46: {  	_ =	shalt  }
0x47: {  	_ =	shalt  }
0x48: {  	_ =	shalt  }
0x49: {  	_ =	shalt  }
0x4a: {  	_ =	shalt  }
0x4b: {  	_ =	shalt  }
0x4c: {  	_ =	shalt  }
0x4d: {  	_ =	shalt  }
0x4e: {  	_ =	shalt  }
0x4f: {  	_ =	shalt  }
0x50: {  	_ =	shalt  }
0x51: {  	_ =	shalt  }
0x52: {  	_ =	shalt  }
0x53: {  	_ =	shalt  }
0x54: {  	_ =	shalt  }
0x55: {  	_ =	shalt  }
0x56: {  	_ =	shalt  }
0x57: {  	_ =	shalt  }
0x58: {  	_ =	shalt  }
0x59: {  	_ =	shalt  }
0x5a: {  	_ =	shalt  }
0x5b: {  	_ =	shalt  }
0x5c: {  	_ =	shalt  }
0x5d: {  	_ =	shalt  }
0x5e: {  	_ =	shalt  }
0x5f: {  	_ =	shalt  }
0x60: {  	_ =	shalt  }
0x61: {  	_ =	shalt  }
0x62: {  	_ =	shalt  }
0x63: {  	_ =	shalt  }
0x64: {  	_ =	shalt  }
0x65: {  	_ =	shalt  }
0x66: {  	_ =	shalt  }
0x67: {  	_ =	shalt  }
0x68: {  	_ =	shalt  }
0x69: {  	_ =	shalt  }
0x6a: {  	_ =	shalt  }
0x6b: {  	_ =	shalt  }
0x6c: {  	_ =	shalt  }
0x6d: {  	_ =	shalt  }
0x6e: {  	_ =	shalt  }
0x6f: {  	_ =	shalt  }
0x70: {  	_ =	shalt  }
0x71: {  	_ =	shalt  }
0x72: {  	_ =	shalt  }
0x73: {  	_ =	shalt  }
0x74: {  	_ =	shalt  }
0x75: {  	_ =	shalt  }
0x76: {  	_ =	shalt  }
0x77: {  	_ =	shalt  }
0x78: {  	_ =	shalt  }
0x79: {  	_ =	shalt  }
0x7a: {  	_ =	shalt  }
0x7b: {  	_ =	shalt  }
0x7c: {  	_ =	shalt  }
0x7d: {  	_ =	shalt  }
0x7e: {  	_ =	shalt  }
0x7f: {  	_ =	shalt  }
0x80: {  	_ =	shalt  }
0x81: {  	_ =	shalt  }
0x82: {  	_ =	shalt  }
0x83: {  	_ =	shalt  }
0x84: {  	_ =	shalt  }
0x85: {  	_ =	shalt  }
0x86: {  	_ =	shalt  }
0x87: {  	_ =	shalt  }
.Lfunc_end0:
.L_simem_size_0:
called_computation_lowered:
.L_overlay_start_0:
0x88: {  	s2 =	sld [smem:$0x3FD9]  }
0x89: {  	s3 =	sld [smem:$0x3FFE];
	_ =	sdelay $0x1  }
0x8a: {  	s1 =	srdreg.scid  }
0x8b: {  	s0 =	sand.u32 $0x1, s1  }
0x8c: {  	s14 =	sshll.u32 s0, $0xA;
	s2 =	sadd.s32 s3, s2  }
0x8d: {  	s2 =	sadd.s32 s2, s14  }
0x8e: {  	[smem:$0x3FC6] =	sst s2  }
0x8f: {  	_ = 	snop  }
0x90: {  	s2 =	sld [smem:$0x3FD0];
	_ =	sdelay $0x2  }
0x91: {  	s4 =	simm.s32 $0xA;
	s5 =	simm.s32 $0x10;
	s15 =	sld [smem:$0x3FC9]  }
0x92: {  	[smem:s5], [sflag:s4] =	dma.local [hbm:s2], $0x1  }
0x93: {  	_ =	swait.eq [sflag:s4], $0x1  }
0x94: {  	[sflag:s4] =	ssyncset.done $0x0  }
0x95: {  	[sflag:s4] =	ssyncadd.s32 $0xFFFFFFFF  }
0x96: {  	s16 =	sld [smem:$0x10];
	(tm) =	ssettm $0x1  }
0x97: {  	s17 =	sld [smem:$0x3FFB];
	_ =	sdelay $0x3  }
0x98: {  	_ =	strace s17  }
0x99: {  	s4 =	sld [smem:$0x3FFC];
	_ =	sdelay $0x3  }
0x9a: {  	_ =	strace s4  }
0x9b: {  	s4 =	sld [smem:$0x3FFD];
	_ =	sdelay $0x3  }
0x9c: {  	_ =	strace s4  }
0x9d: {  	_ =	strace $0x8FFFFFFF  }
0x9e: {  	s18 =	sld [smem:$0x3FDB];
	_ =	sdelay $0x1  }
0x9f: {  	s19 =	simm.s32 $_scs_section_size  }
0xa0: {  	s6 =	simm.s32 $_size__tile_overlayer_lowered;
	s7 =	simm.s32 $_tile_overlayer_lowered  }
0xa1: {  	s22 =	simm.s32 $0x1BFF;
	s21 =	sshll.u32 s7, $0x1;
	s4 =	sadd.s32 s19, s18  }
0xa2: {  	s8 =	simm.s32 $0x0;
	s20 =	sshll.u32 s6, $0x1;
	s6 =	sadd.s32 s21, s4  }
0xa3: {  	[timem:s8], [sflag:s22] =	dma.local [hbm:s6], s20  }
0xa4: {  	_ =	swait.ge [sflag:s22], s20  }
0xa5: {  	s5 =	ssub.s32 $0x0, s20;
	[sflag:s22] =	ssyncset.done $0x0  }
0xa6: {  	[sflag:s22] =	ssyncadd.s32 s5;
	_ =	sdelay $0x1  }
0xa7: {  	s23 =	simm.s32 $0x1B8B  }
0xa8: {  	_ =	swait.ge [sflag:s23], $0x1  }
0xa9: {  	[sflag:s23] =	ssyncset.done $0x0  }
0xaa: {  	s25 =	simm.s32 $0x1B8E;
	s24 =	sld [smem:$0x3FFE];
	[sflag:s23] =	ssyncadd.s32 $0xFFFFFFFF  }
0xab: {  	s26 =	simm.s32 $execute0_lowered;
	[smem:$0x3FD2] =	sst s25  }
0xac: {  	s6 =	sshll.u32 s26, $0x1;
	_ =	strace $0x80000046;
	[dreg:$0x1] =	wrdreg $0xFFFFFFFF  }
0xad: {  	s28 =	simm.s32 $_size_execute0_lowered;
	s4 =	sadd.s32 s4, s6;
	[dreg:$0x0] =	wrdreg $0x0  }
0xae: {  	s6 =	sshll.u32 s28, $0x1;
	[dreg:$0x2] =	wrdreg s4  }
0xaf: {  	[dreg:$0x3] =	wrdreg s6  }
0xb0: {  	[dreg:$0x4] =	wrdreg $0xC0  }
0xb1: {  	_ =	task [dreg:s8], $0x5FFFF  }
0xb2: {  	[dreg:$0x1] =	wrdreg $0xFFFFFFFF  }
0xb3: {  	[dreg:$0x0] =	wrdreg $0x60  }
0xb4: {  	[dreg:$0x2] =	wrdreg s24  }
0xb5: {  	[dreg:$0x3] =	wrdreg s15  }
0xb6: {  	[dreg:$0x4] =	wrdreg s16  }
0xb7: {  	[dreg:$0x5] =	wrdreg $0x9  }
0xb8: {  	_ =	task.clear_ibuf [dreg:s8], $0x6FFFF;
	_ =	strace $0x90000046  }
0xb9: {  	s29 =	simm.s32 $0x9;
	_ =	strace $0x80000048  }
0xba: {  	_ =	swait.ge [sflag:s29], $0x1  }
0xbb: {  	[sflag:s29] =	ssyncadd.s32 $0xFFFFFFFF  }
0xbc: {  	_ =	strace $0x90000048  }
0xbd: {  	_ =	sfence  }
0xbe: {  	s30 =	sld [smem:$0x0];
	_ =	sdelay $0x2  }
0xbf: {  	s31 =	sshll.u32 s1, $0xD;
	s1 =	sshrl.u32 s1, $0x2  }
0xc0: {  	s3 =	sand.u32 $0x4000, s31;
	s1 =	sadd.s32 s1, s30  }
0xc1: {  	s0 =	sor.u32 s3, s0;
	s1 =	sshll.u32 s1, $0x11  }
0xc2: {  	s0 =	sor.u32 s1, s0  }
0xc3: {  	s0 =	sadd.s32 $0x8F2B, s0  }
0xc4: {  	[sflag:s0] =	ssyncadd.remote.s32 $0x1  }
0xc5: {  	_ =	sfence.sel $0xFFFF  }
0xc6: {  	[dreg:$0x0] =	wrdreg $0xFFFFFFFF;
	(pc) =	sbr.abs _section_cstart, $3  }
0xc7: {  	[dreg:$0x1] =	wrdreg $0xFFFFFFFF  }
0xc8: {  	_ =	task.clear_ibuf [dreg:s8], $0x2FFFF;
	_ =	strace $0x9FFFFFFF  }
0xc9: {  	(tm) =	ssettm $0x7FFFFFFF  }
tec
execute0_lowered:
.L_overlay_start_1:
0x0: {  	(tag) =	ssettag $0x1  }
0x1: {  	s0 =	rddreg [dreg:$0x0]  }
0x2: {  	s1 =	rddreg [dreg:$0x1]  }
0x3: {  	s13 =	rddreg [dreg:$0x2]  }
0x4: {  	s3 =	srdreg.scid;
	s5 =	stileid.u32;
	s2 =	simm.s32 $0x0  }
0x5: {  	s16 =	simm.s32 $0x5;
	s17 =	simm.s32 $0x200;
	s19 =	simm.s32 $0x1000  }
0x6: {  	s20 =	simm.s32 $0x9000;
	s21 =	simm.s32 $0x11000;
	s22 =	simm.s32 $0x1  }
0x7: {  	s23 =	simm.s32 $0x3;
	s25 =	simm.s32 $0x5000;
	s28 =	simm.s32 $0x2  }
0x8: {  	s29 =	simm.s32 $0x4;
	s4 =	sand.u32 $0x1, s3;
	s26 =	sshll.u32 s5, $0x1  }
0x9: {  	s31 =	simm.s32 $0xE00;
	[smem:$0x7FF] =	sst s2;
	s5 =	sor.u32 s4, s26  }
0xa: {  	_ =	strace $0x80000047;
	s4 =	ssub.s32 $0x2, s4;
	s26 =	simm.s32 $0xD000  }
0xb: {  	s3 =	sshll.u32 s5, $0x8;
	s7 =	sshll.u32 s5, $0xC;
	s8 =	sshll.u32 s5, $0x1  }
0xc: {  	s30 =	sshrl.u32 s4, $0x1;
	s9 =	sshll.u32 s5, $0xD;
	s6 =	sadd.s32 s3, s0  }
0xd: {  	s3 =	sadd.s32 $0x83400, s0;
	s7 =	sadd.s32 s7, s0;
	s0 =	sadd.s32 s8, s0  }
0xe: {  	s15 =	ssub.s32 s4, s30;
	s10 =	sor.u32 $0x800, s9;
	s5 =	sadd.s32 s1, s9  }
0xf: {  	s8 =	sadd.s32 s13, s9;
	s12 =	sor.u32 $0x1000, s9;
	s14 =	sor.u32 $0x1800, s9  }
0x10: {  	s4 =	sadd.s32 $0x81400, s6;
	s6 =	sadd.s32 $0x1400, s7;
	s7 =	sadd.s32 s1, s10  }
0x11: {  	v0 =	vlaneseq.u32;
	s9 =	sadd.s32 s1, s12;
	s10 =	sadd.s32 s13, s10;
	s11 =	sadd.s32 s1, s14  }
0x12: {  	v0 =	vand.u32 $0x3, v0;
	s12 =	sadd.s32 s13, s12;
	s13 =	sadd.s32 s13, s14;
	s14 =	sadd.s32 $0x21400, s0  }
0x13: {  	v1 =	vimm.s32 $0x0;
	v0 =	vmul.u32 $0x2000, v0;
	s15 =	smax.u32 s15, $0x1;
	s0 =	simm.s32 $0x19000;
	s1 =	simm.s32 $0x0  }
.LBB2_1:
0x14: {  	[tilespmem:s2], [sflag:$0x5] =	stream.linear.gather [hbm4b:s4+s2], $0x800, $0x38;
	[tilespmem:$0x19010] =	vst v63  }
0x15: {  	_ =	swait.ge [sflag:s16], $0x800  }
0x16: {  	[sflag:s16] =	ssyncset.done $0x0  }
0x17: {  	s18 =	simm.s32 $0x0;
	[sflag:s16] =	ssyncadd.s32 $0xFFFFF800  }
0x18: {  	v4 =	vld [tilespmem:s18+$0x30]  }
0x19: {  	v5 =	vld [tilespmem:s18+$0x0]  }
0x1a: {  	v2 =	vld [tilespmem:s18+$0x10]  }
0x1b: {  	s24 =	simm.s32 $0x100;
	v3 =	vld [tilespmem:s18+$0x20]  }
.LBB2_2:
0x1c: {  	p0 =	sne.s32 s24, $0x1F00  }
.Ltmp0:
0x1d: {  	s30 =	sshra.s32 s24, $0x2;
	s24 =	sadd.s32 $0x100, s24;
	v6 =	vadd.s32 v0, v4;
	(pc) =	sbr.rel @p0 .LBB2_2-.Ltmp0, $4  }
0x1e: {  	v4 =	vld [tilespmem:s30+$0x30];
	v7 =	vadd.s32 v0, v5;
	[tilespmem:s18+$0x830] =	vst v6  }
0x1f: {  	v5 =	vld [tilespmem:s30+$0x0];
	[tilespmem:s18+$0x800] =	vst v7;
	v6 =	vadd.s32 v0, v2  }
0x20: {  	v2 =	vld [tilespmem:s30+$0x10];
	[tilespmem:s18+$0x810] =	vst v6;
	v6 =	vadd.s32 v0, v3  }
0x21: {  	v3 =	vld [tilespmem:s30+$0x20];
	[tilespmem:s18+$0x820] =	vst v6;
	s18 =	smov.u32 s30  }
0x22: {  	_ = 	snop  }
0x23: {  	v4 =	vadd.s32 v0, v4  }
0x24: {  	v5 =	vadd.s32 v0, v5;
	[tilespmem:s18+$0x830] =	vst v4  }
0x25: {  	[tilespmem:s18+$0x800] =	vst v5;
	v2 =	vadd.s32 v0, v2  }
0x26: {  	[tilespmem:s18+$0x810] =	vst v2;
	v2 =	vadd.s32 v0, v3  }
0x27: {  	s24 =	simm.s32 $0x800;
	[tilespmem:s18+$0x820] =	vst v2  }
0x28: {  	[tilespmem:s19], [sflag:$0x1] =	stream.indirect.gather [hbm4b:s3+s17], $0x20, s24, s17, $0xb8;
	[tilespmem:$0x19010] =	vst v63  }
0x29: {  	s30 =	simm.s32 $0x200;
	s18 =	simm.s32 $0x0;
	s24 =	simm.s32 $0x0  }
0x2a: {  	[tilespmem:s20], [sflag:$0x3] =	stream.linear.gather [hbm4b:s5+s18], $0x4000, $0x38;
	[tilespmem:$0x19010] =	vst v63  }
.LBB2_4:
0x2b: {  	p0 =	sne.s32 s30, $0x1FE00;
	[tilespmem:s24+$0x11070] =	vst v1  }
0x2c: {  	[tilespmem:s24+$0x11000] =	vst v1  }
0x2d: {  	[tilespmem:s24+$0x11010] =	vst v1  }
.Ltmp1:
0x2e: {  	[tilespmem:s24+$0x11020] =	vst v1;
	(pc) =	sbr.rel @p0 .LBB2_4-.Ltmp1, $4  }
0x2f: {  	[tilespmem:s24+$0x11030] =	vst v1  }
0x30: {  	[tilespmem:s24+$0x11040] =	vst v1  }
0x31: {  	[tilespmem:s24+$0x11050] =	vst v1  }
0x32: {  	[tilespmem:s24+$0x11060] =	vst v1;
	s24 =	sshra.s32 s30, $0x2;
	s30 =	sadd.s32 $0x200, s30  }
0x33: {  	[tilespmem:s24+$0x11070] =	vst v1  }
0x34: {  	[tilespmem:s24+$0x11000] =	vst v1  }
0x35: {  	[tilespmem:s24+$0x11010] =	vst v1  }
0x36: {  	[tilespmem:s24+$0x11020] =	vst v1  }
0x37: {  	[tilespmem:s24+$0x11030] =	vst v1  }
0x38: {  	[tilespmem:s24+$0x11040] =	vst v1  }
0x39: {  	[tilespmem:s24+$0x11050] =	vst v1  }
0x3a: {  	[tilespmem:s24+$0x11060] =	vst v1  }
.LBB2_6:
0x3b: {  	s24 =	sshra.s32 s18, $0x2  }
0x3c: {  	v2 =	vld [tilespmem:s24+$0x800];
	_ =	sdelay $0x4  }
0x3d: {  	(xrf1) =	vunique.msk.u32 $0xffff, v2;
	_ =	sdelay $0xd  }
0x3e: {  	_, v3, vm0 =	vpop (xrf1);
	_ =	sdelay $0x5  }
0x3f: {  	[tilespmem:v2+s21+$0x0] =	vst.idx.add.s32.msk vm0, v3  }
0x40: {  	v2 =	vld [tilespmem:s24+$0x810];
	_ =	sdelay $0x4  }
0x41: {  	(xrf1) =	vunique.msk.u32 $0xffff, v2;
	_ =	sdelay $0xd  }
0x42: {  	_, v3, vm0 =	vpop (xrf1);
	_ =	sdelay $0x5  }
0x43: {  	[tilespmem:v2+s21+$0x0] =	vst.idx.add.s32.msk vm0, v3  }
0x44: {  	v2 =	vld [tilespmem:s24+$0x820];
	_ =	sdelay $0x4  }
0x45: {  	(xrf1) =	vunique.msk.u32 $0xffff, v2;
	_ =	sdelay $0xd  }
0x46: {  	_, v3, vm0 =	vpop (xrf1);
	_ =	sdelay $0x5  }
0x47: {  	[tilespmem:v2+s21+$0x0] =	vst.idx.add.s32.msk vm0, v3  }
0x48: {  	v2 =	vld [tilespmem:s24+$0x830];
	_ =	sdelay $0x4  }
0x49: {  	(xrf1) =	vunique.msk.u32 $0xffff, v2;
	_ =	sdelay $0xd  }
0x4a: {  	_, v3, vm0 =	vpop (xrf1)  }
0x4b: {  	p0 =	sne.s32 s18, $0x1F00  }
.Ltmp2:
0x4c: {  	_ = 	snop;
	(pc) =	sbr.rel @p0 .LBB2_6-.Ltmp2, $2  }
0x4d: {  	_ =	sdelay $0x2  }
0x4e: {  	s18 =	sadd.s32 $0x100, s18;
	[tilespmem:v2+s21+$0x0] =	vst.idx.add.s32.msk vm0, v3  }
0x4f: {  	s18 =	simm.s32 $0x0  }
0x50: {  	[hbm4b:s6+s18] =	stream.linear.scatter [tilespmem:s21], [sflag:$0x5], $0x8000, $0x38;
	[tilespmem:$0x19010] =	vst v63  }
0x51: {  	_ =	swait.ge [sflag:s16], $0x8000  }
0x52: {  	[sflag:s16] =	ssyncset.done $0x0  }
0x53: {  	[sflag:s16] =	ssyncadd.s32 $0xFFFF8000  }
0x54: {  	_ =	swait.ge [sflag:s22], $0x4000  }
0x55: {  	[sflag:s22] =	ssyncset.done $0x0  }
0x56: {  	[sflag:s22] =	ssyncadd.s32 $0xFFFFC000  }
0x57: {  	_ =	swait.ge [sflag:s23], $0x4000  }
0x58: {  	[sflag:s23] =	ssyncset.done $0x0  }
0x59: {  	s24 =	simm.s32 $0xA00;
	[sflag:s23] =	ssyncadd.s32 $0xFFFFC000  }
0x5a: {  	[tilespmem:s25], [sflag:$0x2] =	stream.indirect.gather [hbm4b:s3+s17], $0x20, s24, s17, $0xb8;
	[tilespmem:$0x19010] =	vst v63  }
0x5b: {  	_ = 	snop  }
0x5c: {  	[tilespmem:s26], [sflag:$0x4] =	stream.linear.gather [hbm4b:s7+s18], $0x4000, $0x38;
	[tilespmem:$0x19010] =	vst v63  }
0x5d: {  	_ = 	snop  }
0x5e: {  	[hbm4b:s8+s18] =	stream.linear.scatter [tilespmem:s19], [sflag:$0x5], $0x4000, $0x38;
	[tilespmem:$0x19010] =	vst v63  }
0x5f: {  	_ =	swait.ge [sflag:s16], $0x4000  }
0x60: {  	[sflag:s16] =	ssyncset.done $0x0  }
0x61: {  	s30 =	simm.s32 $0x0;
	[sflag:s16] =	ssyncadd.s32 $0xFFFFC000  }
0x62: {  	v7 =	vld [tilespmem:s30+$0x9060]  }
0x63: {  	v8 =	vld [tilespmem:s30+$0x1060]  }
0x64: {  	v5 =	vld [tilespmem:s30+$0x9040]  }
0x65: {  	v6 =	vld [tilespmem:s30+$0x1040]  }
0x66: {  	v9 =	vld [tilespmem:s30+$0x9050]  }
0x67: {  	v3 =	vld [tilespmem:s30+$0x9020]  }
0x68: {  	v4 =	vld [tilespmem:s30+$0x1020]  }
0x69: {  	v2 =	vld [tilespmem:s30+$0x9000]  }
0x6a: {  	v10 =	vld [tilespmem:s30+$0x1000]  }
0x6b: {  	v11 =	vld [tilespmem:s30+$0x9010]  }
0x6c: {  	v12 =	vld [tilespmem:s30+$0x1010]  }
0x6d: {  	v13 =	vld [tilespmem:s30+$0x9030]  }
0x6e: {  	v14 =	vld [tilespmem:s30+$0x1030]  }
0x6f: {  	v15 =	vld [tilespmem:s30+$0x1050]  }
0x70: {  	v16 =	vld [tilespmem:s30+$0x9070]  }
0x71: {  	s18 =	simm.s32 $0x80;
	v10 =	vsub.f32 v2, v10;
	v11 =	vsub.f32 v11, v12;
	v12 =	vld [tilespmem:s30+$0x1070]  }
0x72: {  	v2 =	vld [tilespmem:s18+$0x9060];
	v17 =	vsub.f32 v3, v4  }
0x73: {  	v3 =	vld [tilespmem:s18+$0x1060];
	v13 =	vsub.f32 v13, v14;
	v10 =	vmul.f32 v10, v10;
	v11 =	vmul.f32 v11, v11  }
0x74: {  	v14 =	vimm.f32 $0.0e+00;
	v4 =	vld [tilespmem:s18+$0x9040];
	v18 =	vsub.f32 v5, v6;
	v9 =	vsub.f32 v9, v15  }
0x75: {  	v5 =	vld [tilespmem:s18+$0x1040];
	v13 =	vmul.f32 v13, v13;
	v10 =	vadd.f32 v11, v10;
	v11 =	vmul.f32 v17, v17  }
0x76: {  	v6 =	vld [tilespmem:s18+$0x9050];
	v62 =	vsub.f32 v7, v8;
	v15 =	vmul.f32 v18, v18;
	v12 =	vsub.f32 v16, v12  }
0x77: {  	v7 =	vld [tilespmem:s18+$0x9020];
	v10 =	vadd.f32 v10, v14;
	v11 =	vadd.f32 v13, v11;
	v13 =	vmul.f32 v9, v9  }
0x78: {  	v8 =	vld [tilespmem:s18+$0x1020];
	v14 =	vmul.f32 v62, v62  }
0x79: {  	v9 =	vld [tilespmem:s18+$0x9000];
	v63 =	vadd.f32 v11, v10;
	v13 =	vadd.f32 v13, v15;
	v15 =	vmul.f32 v12, v12  }
0x7a: {  	v10 =	vld [tilespmem:s18+$0x1000]  }
0x7b: {  	s24 =	simm.s32 $0x400;
	v11 =	vld [tilespmem:s18+$0x9010];
	v12 =	vadd.f32 v13, v63;
	v13 =	vadd.f32 v15, v14  }
.LBB2_8:
0x7c: {  	p0 =	sne.s32 s24, $0xFE00;
	v14 =	vld [tilespmem:s18+$0x1010]  }
0x7d: {  	v15 =	vld [tilespmem:s18+$0x9030];
	v12 =	vadd.f32 v13, v12  }
0x7e: {  	v13 =	vld [tilespmem:s18+$0x1030]  }
0x7f: {  	v16 =	vld [tilespmem:s18+$0x1050]  }
0x80: {  	v17 =	vld [tilespmem:s18+$0x9070]  }
0x81: {  	v9 =	vsub.f32 v9, v10;
	v10 =	vsub.f32 v11, v14;
	v11 =	vld [tilespmem:s18+$0x1070];
	s18 =	sshra.s32 s24, $0x2  }
0x82: {  	v7 =	vsub.f32 v7, v8;
	v14 =	vld [tilespmem:s18+$0x9060]  }
0x83: {  	v8 =	vmul.f32 v9, v9;
	v18 =	vld [tilespmem:s18+$0x1060];
	v9 =	vmul.f32 v10, v10;
	v10 =	vsub.f32 v15, v13  }
0x84: {  	v13 =	vsub.f32 v4, v5;
	v4 =	vld [tilespmem:s18+$0x9040];
	v15 =	vsub.f32 v6, v16  }
0x85: {  	v5 =	vld [tilespmem:s18+$0x1040];
	v8 =	vadd.f32 v9, v8;
	v9 =	vmul.f32 v7, v7;
	v10 =	vmul.f32 v10, v10  }
0x86: {  	v16 =	vsub.f32 v2, v3;
	v13 =	vmul.f32 v13, v13;
	v6 =	vld [tilespmem:s18+$0x9050];
	v11 =	vsub.f32 v17, v11  }
.Ltmp3:
0x87: {  	v15 =	vmul.f32 v15, v15;
	v7 =	vld [tilespmem:s18+$0x9020];
	v12 =	vadd.f32 v8, v12;
	v10 =	vadd.f32 v10, v9;
	v2 =	vmovc v14;
	(pc) =	sbr.rel @p0 .LBB2_8-.Ltmp3, $4  }
0x88: {  	v14 =	vmul.f32 v16, v16;
	v8 =	vld [tilespmem:s18+$0x1020];
	v3 =	vmov v18  }
0x89: {  	v13 =	vadd.f32 v15, v13;
	v15 =	vmul.f32 v11, v11;
	v9 =	vld [tilespmem:s18+$0x9000];
	v12 =	vadd.f32 v10, v12  }
0x8a: {  	v10 =	vld [tilespmem:s18+$0x1000]  }
0x8b: {  	s24 =	sadd.s32 $0x200, s24;
	v11 =	vld [tilespmem:s18+$0x9010];
	v12 =	vadd.f32 v13, v12;
	v13 =	vadd.f32 v15, v14  }
0x8c: {  	v14 =	vld [tilespmem:s18+$0x1010]  }
0x8d: {  	v15 =	vld [tilespmem:s18+$0x9030]  }
0x8e: {  	v16 =	vld [tilespmem:s18+$0x1030]  }
0x8f: {  	v17 =	vld [tilespmem:s18+$0x1050]  }
0x90: {  	v18 =	vld [tilespmem:s18+$0x9070]  }
0x91: {  	v19 =	vld [tilespmem:s18+$0x1070];
	_ =	swait.ge [sflag:s28], $0x4000  }
0x92: {  	[sflag:s28] =	ssyncset.done $0x0  }
0x93: {  	[sflag:s28] =	ssyncadd.s32 $0xFFFFC000  }
0x94: {  	_ =	swait.ge [sflag:s29], $0x4000  }
0x95: {  	[sflag:s29] =	ssyncset.done $0x0  }
0x96: {  	s24 =	simm.s32 $0xC00;
	[sflag:s29] =	ssyncadd.s32 $0xFFFFC000  }
0x97: {  	[tilespmem:s19], [sflag:$0x1] =	stream.indirect.gather [hbm4b:s3+s17], $0x20, s24, s17, $0xb8;
	[tilespmem:$0x19010] =	vst v63  }
0x98: {  	s30 =	simm.s32 $0x0  }
0x99: {  	[tilespmem:s20], [sflag:$0x3] =	stream.linear.gather [hbm4b:s9+s30], $0x4000, $0x38;
	[tilespmem:$0x19010] =	vst v63  }
0x9a: {  	_ = 	snop  }
0x9b: {  	[hbm4b:s10+s30] =	stream.linear.scatter [tilespmem:s25], [sflag:$0x5], $0x4000, $0x38;
	[tilespmem:$0x19010] =	vst v63  }
0x9c: {  	_ =	swait.ge [sflag:s16], $0x4000  }
0x9d: {  	[sflag:s16] =	ssyncset.done $0x0  }
0x9e: {  	s24 =	simm.s32 $0x0;
	[sflag:s16] =	ssyncadd.s32 $0xFFFFC000  }
0x9f: {  	v20 =	vld [tilespmem:s24+$0xD060]  }
0xa0: {  	v21 =	vld [tilespmem:s24+$0x5060]  }
0xa1: {  	v22 =	vld [tilespmem:s24+$0xD040]  }
0xa2: {  	v9 =	vsub.f32 v9, v10;
	v10 =	vsub.f32 v11, v14;
	v23 =	vld [tilespmem:s24+$0x5040]  }
0xa3: {  	v12 =	vadd.f32 v13, v12;
	v7 =	vsub.f32 v7, v8;
	v8 =	vld [tilespmem:s24+$0xD020]  }
0xa4: {  	v9 =	vmul.f32 v9, v9;
	v13 =	vsub.f32 v15, v16;
	v10 =	vmul.f32 v10, v10;
	v14 =	vld [tilespmem:s24+$0x5020]  }
0xa5: {  	v4 =	vsub.f32 v4, v5;
	v5 =	vsub.f32 v6, v17;
	v6 =	vld [tilespmem:s24+$0xD000]  }
0xa6: {  	v7 =	vmul.f32 v7, v7;
	v9 =	vadd.f32 v10, v9;
	v10 =	vmul.f32 v13, v13;
	v13 =	vld [tilespmem:s24+$0x5000]  }
0xa7: {  	v2 =	vsub.f32 v2, v3;
	v3 =	vmul.f32 v4, v4;
	v4 =	vsub.f32 v18, v19;
	v15 =	vld [tilespmem:s24+$0xD010]  }
0xa8: {  	v5 =	vmul.f32 v5, v5;
	v9 =	vadd.f32 v9, v12;
	v7 =	vadd.f32 v10, v7;
	v10 =	vld [tilespmem:s24+$0x5010]  }
0xa9: {  	v2 =	vmul.f32 v2, v2;
	v12 =	vld [tilespmem:s24+$0xD030]  }
0xaa: {  	v4 =	vmul.f32 v4, v4;
	v3 =	vadd.f32 v5, v3;
	v7 =	vadd.f32 v7, v9;
	v5 =	vld [tilespmem:s24+$0x5030]  }
0xab: {  	v11 =	vld [tilespmem:s24+$0xD050]  }
0xac: {  	v2 =	vadd.f32 v4, v2;
	v9 =	vld [tilespmem:s24+$0x5050];
	v3 =	vadd.f32 v3, v7  }
0xad: {  	v7 =	vld [tilespmem:s24+$0xD070];
	v4 =	vsub.f32 v6, v13  }
0xae: {  	s18 =	simm.s32 $0x80;
	v6 =	vsub.f32 v15, v10;
	v10 =	vld [tilespmem:s24+$0x5070];
	v13 =	vadd.f32 v2, v3  }
0xaf: {  	v2 =	vld [tilespmem:s18+$0xD060];
	v8 =	vsub.f32 v8, v14;
	v12 =	vsub.f32 v12, v5  }
0xb0: {  	v3 =	vld [tilespmem:s18+$0x5060];
	v14 =	vmul.f32 v4, v4;
	v6 =	vmul.f32 v6, v6  }
0xb1: {  	v15 =	vsub.f32 v22, v23;
	v5 =	vld [tilespmem:s18+$0x5040];
	v8 =	vmul.f32 v8, v8;
	v12 =	vmul.f32 v12, v12  }
0xb2: {  	v9 =	vsub.f32 v11, v9;
	v4 =	vld [tilespmem:s18+$0xD040];
	v11 =	vadd.f32 v6, v14  }
0xb3: {  	v6 =	vld [tilespmem:s18+$0xD050];
	v14 =	vmul.f32 v15, v15;
	v15 =	vsub.f32 v20, v21;
	v12 =	vadd.f32 v12, v8  }
0xb4: {  	v8 =	vld [tilespmem:s18+$0x5020];
	v10 =	vsub.f32 v7, v10;
	v11 =	vadd.f32 v11, v13;
	v13 =	vmul.f32 v9, v9  }
0xb5: {  	v7 =	vld [tilespmem:s18+$0xD020];
	v15 =	vmul.f32 v15, v15  }
0xb6: {  	v9 =	vld [tilespmem:s18+$0xD000];
	v12 =	vadd.f32 v12, v11;
	v13 =	vadd.f32 v13, v14;
	v14 =	vmul.f32 v10, v10  }
0xb7: {  	v10 =	vld [tilespmem:s18+$0x5000]  }
0xb8: {  	s24 =	simm.s32 $0x400;
	v11 =	vld [tilespmem:s18+$0xD010];
	v12 =	vadd.f32 v13, v12;
	v13 =	vadd.f32 v14, v15  }
.LBB2_10:
0xb9: {  	p0 =	sne.s32 s24, $0xFE00;
	v14 =	vld [tilespmem:s18+$0x5010]  }
0xba: {  	v15 =	vld [tilespmem:s18+$0xD030];
	v12 =	vadd.f32 v13, v12  }
0xbb: {  	v13 =	vld [tilespmem:s18+$0x5030]  }
0xbc: {  	v16 =	vld [tilespmem:s18+$0x5050]  }
0xbd: {  	v17 =	vld [tilespmem:s18+$0xD070]  }
0xbe: {  	v9 =	vsub.f32 v9, v10;
	v10 =	vsub.f32 v11, v14;
	v11 =	vld [tilespmem:s18+$0x5070];
	s18 =	sshra.s32 s24, $0x2  }
0xbf: {  	v7 =	vsub.f32 v7, v8;
	v14 =	vld [tilespmem:s18+$0xD060]  }
0xc0: {  	v8 =	vmul.f32 v9, v9;
	v18 =	vld [tilespmem:s18+$0x5060];
	v9 =	vmul.f32 v10, v10;
	v10 =	vsub.f32 v15, v13  }
0xc1: {  	v13 =	vsub.f32 v4, v5;
	v4 =	vld [tilespmem:s18+$0xD040];
	v15 =	vsub.f32 v6, v16  }
0xc2: {  	v5 =	vld [tilespmem:s18+$0x5040];
	v8 =	vadd.f32 v9, v8;
	v9 =	vmul.f32 v7, v7;
	v10 =	vmul.f32 v10, v10  }
0xc3: {  	v16 =	vsub.f32 v2, v3;
	v13 =	vmul.f32 v13, v13;
	v6 =	vld [tilespmem:s18+$0xD050];
	v11 =	vsub.f32 v17, v11  }
.Ltmp4:
0xc4: {  	v15 =	vmul.f32 v15, v15;
	v7 =	vld [tilespmem:s18+$0xD020];
	v12 =	vadd.f32 v8, v12;
	v10 =	vadd.f32 v10, v9;
	v2 =	vmovc v14;
	(pc) =	sbr.rel @p0 .LBB2_10-.Ltmp4, $4  }
0xc5: {  	v14 =	vmul.f32 v16, v16;
	v8 =	vld [tilespmem:s18+$0x5020];
	v3 =	vmov v18  }
0xc6: {  	v13 =	vadd.f32 v15, v13;
	v15 =	vmul.f32 v11, v11;
	v9 =	vld [tilespmem:s18+$0xD000];
	v12 =	vadd.f32 v10, v12  }
0xc7: {  	v10 =	vld [tilespmem:s18+$0x5000]  }
0xc8: {  	s24 =	sadd.s32 $0x200, s24;
	v11 =	vld [tilespmem:s18+$0xD010];
	v12 =	vadd.f32 v13, v12;
	v13 =	vadd.f32 v15, v14  }
0xc9: {  	v14 =	vld [tilespmem:s18+$0x5010]  }
0xca: {  	v15 =	vld [tilespmem:s18+$0xD030]  }
0xcb: {  	v16 =	vld [tilespmem:s18+$0x5030]  }
0xcc: {  	v17 =	vld [tilespmem:s18+$0x5050]  }
0xcd: {  	v18 =	vld [tilespmem:s18+$0xD070]  }
0xce: {  	v19 =	vld [tilespmem:s18+$0x5070];
	_ =	swait.ge [sflag:s22], $0x4000  }
0xcf: {  	[sflag:s22] =	ssyncset.done $0x0  }
0xd0: {  	[sflag:s22] =	ssyncadd.s32 $0xFFFFC000  }
0xd1: {  	_ =	swait.ge [sflag:s23], $0x4000  }
0xd2: {  	[sflag:s23] =	ssyncset.done $0x0  }
0xd3: {  	[sflag:s23] =	ssyncadd.s32 $0xFFFFC000  }
0xd4: {  	[tilespmem:s25], [sflag:$0x2] =	stream.indirect.gather [hbm4b:s3+s17], $0x20, s31, s17, $0xb8;
	[tilespmem:$0x19010] =	vst v63  }
0xd5: {  	s30 =	simm.s32 $0x0  }
0xd6: {  	[tilespmem:s26], [sflag:$0x4] =	stream.linear.gather [hbm4b:s11+s30], $0x4000, $0x38;
	[tilespmem:$0x19010] =	vst v63  }
0xd7: {  	_ = 	snop  }
0xd8: {  	[hbm4b:s12+s30] =	stream.linear.scatter [tilespmem:s19], [sflag:$0x5], $0x4000, $0x38;
	[tilespmem:$0x19010] =	vst v63  }
0xd9: {  	_ =	swait.ge [sflag:s16], $0x4000  }
0xda: {  	[sflag:s16] =	ssyncset.done $0x0  }
0xdb: {  	s24 =	simm.s32 $0x0;
	[sflag:s16] =	ssyncadd.s32 $0xFFFFC000  }
0xdc: {  	v20 =	vld [tilespmem:s24+$0x9060]  }
0xdd: {  	v21 =	vld [tilespmem:s24+$0x1060]  }
0xde: {  	v22 =	vld [tilespmem:s24+$0x9040]  }
0xdf: {  	v9 =	vsub.f32 v9, v10;
	v10 =	vsub.f32 v11, v14;
	v23 =	vld [tilespmem:s24+$0x1040]  }
0xe0: {  	v12 =	vadd.f32 v13, v12;
	v7 =	vsub.f32 v7, v8;
	v8 =	vld [tilespmem:s24+$0x9020]  }
0xe1: {  	v9 =	vmul.f32 v9, v9;
	v13 =	vsub.f32 v15, v16;
	v10 =	vmul.f32 v10, v10;
	v14 =	vld [tilespmem:s24+$0x1020]  }
0xe2: {  	v4 =	vsub.f32 v4, v5;
	v5 =	vsub.f32 v6, v17;
	v6 =	vld [tilespmem:s24+$0x9000]  }
0xe3: {  	v7 =	vmul.f32 v7, v7;
	v9 =	vadd.f32 v10, v9;
	v10 =	vmul.f32 v13, v13;
	v13 =	vld [tilespmem:s24+$0x1000]  }
0xe4: {  	v2 =	vsub.f32 v2, v3;
	v3 =	vmul.f32 v4, v4;
	v4 =	vsub.f32 v18, v19;
	v15 =	vld [tilespmem:s24+$0x9010]  }
0xe5: {  	v5 =	vmul.f32 v5, v5;
	v9 =	vadd.f32 v9, v12;
	v7 =	vadd.f32 v10, v7;
	v10 =	vld [tilespmem:s24+$0x1010]  }
0xe6: {  	v2 =	vmul.f32 v2, v2;
	v12 =	vld [tilespmem:s24+$0x9030]  }
0xe7: {  	v4 =	vmul.f32 v4, v4;
	v3 =	vadd.f32 v5, v3;
	v7 =	vadd.f32 v7, v9;
	v5 =	vld [tilespmem:s24+$0x1030]  }
0xe8: {  	v11 =	vld [tilespmem:s24+$0x9050]  }
0xe9: {  	v2 =	vadd.f32 v4, v2;
	v9 =	vld [tilespmem:s24+$0x1050];
	v3 =	vadd.f32 v3, v7  }
0xea: {  	v7 =	vld [tilespmem:s24+$0x9070];
	v4 =	vsub.f32 v6, v13  }
0xeb: {  	s18 =	simm.s32 $0x80;
	v6 =	vsub.f32 v15, v10;
	v10 =	vld [tilespmem:s24+$0x1070];
	v13 =	vadd.f32 v2, v3  }
0xec: {  	v2 =	vld [tilespmem:s18+$0x9060];
	v8 =	vsub.f32 v8, v14;
	v12 =	vsub.f32 v12, v5  }
0xed: {  	v3 =	vld [tilespmem:s18+$0x1060];
	v14 =	vmul.f32 v4, v4;
	v6 =	vmul.f32 v6, v6  }
0xee: {  	v15 =	vsub.f32 v22, v23;
	v5 =	vld [tilespmem:s18+$0x1040];
	v8 =	vmul.f32 v8, v8;
	v12 =	vmul.f32 v12, v12  }
0xef: {  	v9 =	vsub.f32 v11, v9;
	v4 =	vld [tilespmem:s18+$0x9040];
	v11 =	vadd.f32 v6, v14  }
0xf0: {  	v6 =	vld [tilespmem:s18+$0x9050];
	v14 =	vmul.f32 v15, v15;
	v15 =	vsub.f32 v20, v21;
	v12 =	vadd.f32 v12, v8  }
0xf1: {  	v8 =	vld [tilespmem:s18+$0x1020];
	v10 =	vsub.f32 v7, v10;
	v11 =	vadd.f32 v11, v13;
	v13 =	vmul.f32 v9, v9  }
0xf2: {  	v7 =	vld [tilespmem:s18+$0x9020];
	v15 =	vmul.f32 v15, v15  }
0xf3: {  	v9 =	vld [tilespmem:s18+$0x9000];
	v12 =	vadd.f32 v12, v11;
	v13 =	vadd.f32 v13, v14;
	v14 =	vmul.f32 v10, v10  }
0xf4: {  	v10 =	vld [tilespmem:s18+$0x1000]  }
0xf5: {  	s24 =	simm.s32 $0x400;
	v11 =	vld [tilespmem:s18+$0x9010];
	v12 =	vadd.f32 v13, v12;
	v13 =	vadd.f32 v14, v15  }
.LBB2_12:
0xf6: {  	p0 =	sne.s32 s24, $0xFE00;
	v14 =	vld [tilespmem:s18+$0x1010]  }
0xf7: {  	v15 =	vld [tilespmem:s18+$0x9030];
	v12 =	vadd.f32 v13, v12  }
0xf8: {  	v13 =	vld [tilespmem:s18+$0x1030]  }
0xf9: {  	v16 =	vld [tilespmem:s18+$0x1050]  }
0xfa: {  	v17 =	vld [tilespmem:s18+$0x9070]  }
0xfb: {  	v9 =	vsub.f32 v9, v10;
	v10 =	vsub.f32 v11, v14;
	v11 =	vld [tilespmem:s18+$0x1070];
	s18 =	sshra.s32 s24, $0x2  }
0xfc: {  	v7 =	vsub.f32 v7, v8;
	v14 =	vld [tilespmem:s18+$0x9060]  }
0xfd: {  	v8 =	vmul.f32 v9, v9;
	v18 =	vld [tilespmem:s18+$0x1060];
	v9 =	vmul.f32 v10, v10;
	v10 =	vsub.f32 v15, v13  }
0xfe: {  	v13 =	vsub.f32 v4, v5;
	v4 =	vld [tilespmem:s18+$0x9040];
	v15 =	vsub.f32 v6, v16  }
0xff: {  	v5 =	vld [tilespmem:s18+$0x1040];
	v8 =	vadd.f32 v9, v8;
	v9 =	vmul.f32 v7, v7;
	v10 =	vmul.f32 v10, v10  }
0x100: {  	v16 =	vsub.f32 v2, v3;
	v13 =	vmul.f32 v13, v13;
	v6 =	vld [tilespmem:s18+$0x9050];
	v11 =	vsub.f32 v17, v11  }
.Ltmp5:
0x101: {  	v15 =	vmul.f32 v15, v15;
	v7 =	vld [tilespmem:s18+$0x9020];
	v12 =	vadd.f32 v8, v12;
	v10 =	vadd.f32 v10, v9;
	v2 =	vmovc v14;
	(pc) =	sbr.rel @p0 .LBB2_12-.Ltmp5, $4  }
0x102: {  	v14 =	vmul.f32 v16, v16;
	v8 =	vld [tilespmem:s18+$0x1020];
	v3 =	vmov v18  }
0x103: {  	v13 =	vadd.f32 v15, v13;
	v15 =	vmul.f32 v11, v11;
	v9 =	vld [tilespmem:s18+$0x9000];
	v12 =	vadd.f32 v10, v12  }
0x104: {  	v10 =	vld [tilespmem:s18+$0x1000]  }
0x105: {  	s24 =	sadd.s32 $0x200, s24;
	v11 =	vld [tilespmem:s18+$0x9010];
	v12 =	vadd.f32 v13, v12;
	v13 =	vadd.f32 v15, v14  }
0x106: {  	v14 =	vld [tilespmem:s18+$0x1010]  }
0x107: {  	v15 =	vld [tilespmem:s18+$0x9030]  }
0x108: {  	v16 =	vld [tilespmem:s18+$0x1030]  }
0x109: {  	v17 =	vld [tilespmem:s18+$0x1050]  }
0x10a: {  	v18 =	vld [tilespmem:s18+$0x9070]  }
0x10b: {  	v19 =	vld [tilespmem:s18+$0x1070];
	_ =	swait.ge [sflag:s28], $0x4000  }
0x10c: {  	[sflag:s28] =	ssyncset.done $0x0  }
0x10d: {  	[sflag:s28] =	ssyncadd.s32 $0xFFFFC000  }
0x10e: {  	_ =	swait.ge [sflag:s29], $0x4000  }
0x10f: {  	[sflag:s29] =	ssyncset.done $0x0  }
0x110: {  	s30 =	simm.s32 $0x0;
	[sflag:s29] =	ssyncadd.s32 $0xFFFFC000  }
0x111: {  	[hbm4b:s13+s30] =	stream.linear.scatter [tilespmem:s25], [sflag:$0x5], $0x4000, $0x38;
	[tilespmem:$0x19010] =	vst v63  }
0x112: {  	_ =	swait.ge [sflag:s16], $0x4000  }
0x113: {  	[sflag:s16] =	ssyncset.done $0x0  }
0x114: {  	s24 =	simm.s32 $0x0;
	[sflag:s16] =	ssyncadd.s32 $0xFFFFC000  }
0x115: {  	v20 =	vld [tilespmem:s24+$0xD060]  }
0x116: {  	v21 =	vld [tilespmem:s24+$0x5060]  }
0x117: {  	v9 =	vsub.f32 v9, v10;
	v22 =	vld [tilespmem:s24+$0xD040]  }
0x118: {  	v4 =	vsub.f32 v4, v5;
	v10 =	vsub.f32 v11, v14;
	v23 =	vld [tilespmem:s24+$0x5040]  }
0x119: {  	v12 =	vadd.f32 v13, v12;
	v7 =	vsub.f32 v7, v8;
	v9 =	vmul.f32 v9, v9;
	v8 =	vld [tilespmem:s24+$0xD020]  }
0x11a: {  	v13 =	vsub.f32 v15, v16;
	v5 =	vsub.f32 v6, v17;
	v10 =	vmul.f32 v10, v10;
	v14 =	vld [tilespmem:s24+$0x5020]  }
0x11b: {  	v2 =	vsub.f32 v2, v3;
	v3 =	vmul.f32 v4, v4;
	v6 =	vld [tilespmem:s24+$0xD000]  }
0x11c: {  	v5 =	vmul.f32 v5, v5;
	v9 =	vadd.f32 v10, v9;
	v10 =	vmul.f32 v13, v13;
	v13 =	vld [tilespmem:s24+$0x5000]  }
0x11d: {  	v7 =	vmul.f32 v7, v7;
	v15 =	vld [tilespmem:s24+$0xD010]  }
0x11e: {  	v4 =	vsub.f32 v18, v19;
	v3 =	vadd.f32 v5, v3;
	v5 =	vld [tilespmem:s24+$0x5030]  }
0x11f: {  	v9 =	vadd.f32 v9, v12;
	v7 =	vadd.f32 v10, v7;
	v10 =	vld [tilespmem:s24+$0x5010]  }
0x120: {  	v12 =	vld [tilespmem:s24+$0xD030]  }
0x121: {  	v2 =	vmul.f32 v2, v2;
	v4 =	vmul.f32 v4, v4;
	v11 =	vld [tilespmem:s24+$0xD050];
	v7 =	vadd.f32 v7, v9  }
0x122: {  	v9 =	vld [tilespmem:s24+$0x5050]  }
0x123: {  	v2 =	vadd.f32 v4, v2;
	v3 =	vadd.f32 v3, v7;
	v7 =	vld [tilespmem:s24+$0xD070]  }
0x124: {  	s18 =	simm.s32 $0x80;
	v4 =	vsub.f32 v6, v13;
	v6 =	vsub.f32 v15, v10;
	v10 =	vld [tilespmem:s24+$0x5070]  }
0x125: {  	v8 =	vsub.f32 v8, v14;
	v12 =	vsub.f32 v12, v5;
	v5 =	vld [tilespmem:s18+$0x5040]  }
0x126: {  	v13 =	vadd.f32 v2, v3;
	v2 =	vld [tilespmem:s18+$0xD060];
	v14 =	vmul.f32 v4, v4;
	v6 =	vmul.f32 v6, v6  }
0x127: {  	v15 =	vsub.f32 v22, v23;
	v3 =	vld [tilespmem:s18+$0x5060];
	v8 =	vmul.f32 v8, v8;
	v12 =	vmul.f32 v12, v12  }
0x128: {  	v4 =	vld [tilespmem:s18+$0xD040];
	v9 =	vsub.f32 v11, v9;
	v11 =	vadd.f32 v6, v14  }
0x129: {  	v6 =	vld [tilespmem:s18+$0xD050];
	v14 =	vmul.f32 v15, v15;
	v15 =	vsub.f32 v20, v21;
	v12 =	vadd.f32 v12, v8  }
0x12a: {  	v8 =	vld [tilespmem:s18+$0x5020];
	v10 =	vsub.f32 v7, v10;
	v11 =	vadd.f32 v11, v13;
	v13 =	vmul.f32 v9, v9  }
0x12b: {  	v7 =	vld [tilespmem:s18+$0xD020];
	v15 =	vmul.f32 v15, v15  }
0x12c: {  	v9 =	vld [tilespmem:s18+$0xD000];
	v12 =	vadd.f32 v12, v11;
	v13 =	vadd.f32 v13, v14;
	v14 =	vmul.f32 v10, v10  }
0x12d: {  	v10 =	vld [tilespmem:s18+$0x5000]  }
0x12e: {  	s24 =	simm.s32 $0x400;
	v11 =	vld [tilespmem:s18+$0xD010];
	v12 =	vadd.f32 v13, v12;
	v13 =	vadd.f32 v14, v15  }
.LBB2_14:
0x12f: {  	p0 =	sne.s32 s24, $0xFE00;
	v14 =	vld [tilespmem:s18+$0x5010]  }
0x130: {  	v15 =	vld [tilespmem:s18+$0xD030];
	v12 =	vadd.f32 v13, v12  }
0x131: {  	v13 =	vld [tilespmem:s18+$0x5030]  }
0x132: {  	v16 =	vld [tilespmem:s18+$0x5050]  }
0x133: {  	v17 =	vld [tilespmem:s18+$0xD070]  }
0x134: {  	v9 =	vsub.f32 v9, v10;
	v10 =	vsub.f32 v11, v14;
	v11 =	vld [tilespmem:s18+$0x5070];
	s18 =	sshra.s32 s24, $0x2  }
0x135: {  	v7 =	vsub.f32 v7, v8;
	v14 =	vld [tilespmem:s18+$0xD060]  }
0x136: {  	v8 =	vmul.f32 v9, v9;
	v18 =	vld [tilespmem:s18+$0x5060];
	v9 =	vmul.f32 v10, v10;
	v10 =	vsub.f32 v15, v13  }
0x137: {  	v13 =	vsub.f32 v4, v5;
	v4 =	vld [tilespmem:s18+$0xD040];
	v15 =	vsub.f32 v6, v16  }
0x138: {  	v5 =	vld [tilespmem:s18+$0x5040];
	v8 =	vadd.f32 v9, v8;
	v9 =	vmul.f32 v7, v7;
	v10 =	vmul.f32 v10, v10  }
0x139: {  	v16 =	vsub.f32 v2, v3;
	v13 =	vmul.f32 v13, v13;
	v6 =	vld [tilespmem:s18+$0xD050];
	v11 =	vsub.f32 v17, v11  }
.Ltmp6:
0x13a: {  	v15 =	vmul.f32 v15, v15;
	v7 =	vld [tilespmem:s18+$0xD020];
	v12 =	vadd.f32 v8, v12;
	v10 =	vadd.f32 v10, v9;
	v2 =	vmovc v14;
	(pc) =	sbr.rel @p0 .LBB2_14-.Ltmp6, $4  }
0x13b: {  	v14 =	vmul.f32 v16, v16;
	v8 =	vld [tilespmem:s18+$0x5020];
	v3 =	vmov v18  }
0x13c: {  	v13 =	vadd.f32 v15, v13;
	v15 =	vmul.f32 v11, v11;
	v9 =	vld [tilespmem:s18+$0xD000];
	v12 =	vadd.f32 v10, v12  }
0x13d: {  	v10 =	vld [tilespmem:s18+$0x5000]  }
0x13e: {  	s24 =	sadd.s32 $0x200, s24;
	v11 =	vld [tilespmem:s18+$0xD010];
	v12 =	vadd.f32 v13, v12;
	v13 =	vadd.f32 v15, v14  }
0x13f: {  	v14 =	vld [tilespmem:s18+$0x5010]  }
0x140: {  	v15 =	vld [tilespmem:s18+$0xD030]  }
0x141: {  	v16 =	vld [tilespmem:s18+$0x5030]  }
0x142: {  	v17 =	vld [tilespmem:s18+$0x5050]  }
0x143: {  	v18 =	vld [tilespmem:s18+$0xD070]  }
0x144: {  	v57 =	vld [tilespmem:s18+$0x5070];
	v9 =	vsub.f32 v9, v10;
	v56 =	vsub.f32 v11, v14  }
0x145: {  	v7 =	vsub.f32 v7, v8  }
0x146: {  	v58 =	vmul.f32 v9, v9;
	v60 =	vsub.f32 v15, v16;
	v59 =	vmul.f32 v56, v56  }
0x147: {  	v4 =	vsub.f32 v4, v5;
	v12 =	vadd.f32 v13, v12;
	v7 =	vmul.f32 v7, v7  }
0x148: {  	v61 =	vsub.f32 v6, v17;
	v63 =	vmul.f32 v60, v60;
	v62 =	vadd.f32 v59, v58  }
0x149: {  	v2 =	vsub.f32 v2, v3;
	v4 =	vmul.f32 v4, v4;
	v3 =	vsub.f32 v18, v57  }
0x14a: {  	v5 =	vmul.f32 v61, v61;
	v7 =	vadd.f32 v63, v7;
	v6 =	vadd.f32 v62, v12  }
0x14b: {  	v2 =	vmul.f32 v2, v2  }
0x14c: {  	v3 =	vmul.f32 v3, v3;
	v4 =	vadd.f32 v5, v4;
	v6 =	vadd.f32 v7, v6;
	_ =	sdelay $0x1  }
0x14d: {  	v2 =	vadd.f32 v3, v2;
	v4 =	vadd.f32 v4, v6;
	_ =	sdelay $0x1  }
0x14e: {  	s1 =	sadd.s32 $0x1, s1;
	v2 =	vadd.f32 v2, v4  }
0x14f: {  	p0 =	sne.s32 s1, s15  }
.Ltmp7:
0x150: {  	[tilespmem:$0x19000] =	vst v2;
	(pc) =	sbr.rel @p0 .LBB2_1-.Ltmp7, $4  }
0x151: {  	[hbm4b:s14+s2] =	stream.linear.scatter [tilespmem:s0], [sflag:$0x5], $0x10, $0x38;
	[tilespmem:$0x19010] =	vst v63  }
0x152: {  	_ =	swait.ge [sflag:s16], $0x10  }
0x153: {  	[sflag:s16] =	ssyncset.done $0x0  }
0x154: {  	[sflag:s16] =	ssyncadd.s32 $0xFFFFFFF0  }
0x155: {  	_ =	sfence.sel $0x180000  }
0x156: {  	[bflag:$0x0] =	sbarrier.arrive $0xFFFF  }
0x157: {  	_ =	strace $0x90000047  }
0x158: {  	s0 =	stileid.u32;
	[bflag:$0x2] =	sbarrier.arrive $0xFFFF  }
0x159: {  	p0 =	sne.s32 s0, $0x0;
	s0 =	rddreg [dreg:$0x3]  }
0x15a: {  	s0 =	sadd.s32 @!p0 $0x100000, s0  }
0x15b: {  	[sflag:s0] =	ssyncadd.tile.s32 @!p0 $0x1;
	_ =	shalt  }
.Lfunc_end2:
_tile_overlayer_lowered:
.L_overlay_start_2:
0x15c: {  	(tag) =	ssettag $0x2  }
0x15d: {  	s0 =	rddreg [dreg:$0x0];
	s2 =	stileid.u32  }
0x15e: {  	s1 =	rddreg [dreg:$0x1];
	p0 =	sne.s32 s2, $0x0  }
0x15f: {  	s3 =	rddreg [dreg:$0x2];
	[bflag:$0x3] =	sbarrier.arrive $0xFFFF;
	s2 =	simm.s32 @!p0 $0x1C05  }
0x160: {  	[timem:s3], [sflag:s2] =	dma.local @!p0 [hbm:s0], s1  }
0x161: {  	s0 =	simm.s32 @!p0 $0x5  }
0x162: {  	_ =	swait.ge @!p0 [sflag:s0], s1  }
0x163: {  	s1 =	ssub.s32 @!p0 $0x0, s1;
	[sflag:s0] =	ssyncset.done @!p0 $0x0  }
0x164: {  	[sflag:s0] =	ssyncadd.s32 @!p0 s1  }
0x165: {  	[bflag:$0x3] =	sbarrier.arrive $0xFFFF  }
0x166: {  	_ =	shalt  }

</sc_bundles>
